<compile_context>
chip_gen: v7x
topology: tpu7x:2x2x1
jax: 0.10.2.dev20260603
libtpu: 0.0.44.dev20260713+nightly
codegen_flags: <defaults>
</compile_context>

<pallas_src>
import functools

import jax
import jax.numpy as jnp
import numpy as np
from jax import lax
from jax.experimental import pallas as pl
from jax.experimental.pallas import tpu as pltpu
from jax.experimental.pallas import tpu_sc as plsc

VOCAB = 100000
EMB = 16
BATCH = 1024
CTX = 20

_NC = 2
_NS = 16
_NW = _NC * _NS
_S_PER_W = BATCH // _NW
_IDX_PER_W = _S_PER_W * CTX
_GCHUNK = 128
_NCHUNK = _IDX_PER_W // _GCHUNK

_SMAP = np.asarray(
    (np.arange(_IDX_PER_W) // CTX).reshape(_NCHUNK, _GCHUNK),
    dtype=np.int32)


@functools.cache
def _make_sc_embed_mean():
    mesh = plsc.VectorSubcoreMesh(core_axis_name="c", subcore_axis_name="s")

    @functools.partial(
        pl.kernel,
        mesh=mesh,
        out_type=jax.ShapeDtypeStruct((BATCH * EMB,), jnp.float32),
        scratch_types=[
            pltpu.VMEM((_NCHUNK, _GCHUNK), jnp.int32),
            pltpu.VMEM((_NCHUNK, _GCHUNK), jnp.int32),
            pltpu.VMEM((_NCHUNK, _GCHUNK), jnp.int32),
            pltpu.VMEM((_IDX_PER_W, 128), jnp.float32),
            pltpu.VMEM_SHARED((_NS * _S_PER_W, 128), jnp.float32),
            pltpu.VMEM((_S_PER_W * EMB,), jnp.float32),
            pltpu.SemaphoreType.DMA,
            pltpu.SemaphoreType.DMA,
        ],
    )
    def sc_embed_mean(idx_hbm, smap_hbm, table_hbm, out_hbm, idx_v, smap_v,
                      sidx_v, rows_v, acc_sh, avg_v, gsem, ssem):
        wid = lax.axis_index("s") * _NC + lax.axis_index("c")
        sid = lax.axis_index("s")
        abase = sid * _S_PER_W

        zeros16 = jnp.zeros((16,), jnp.float32)
        for s in range(_S_PER_W):
            rows_v[s, pl.ds(0, EMB)] = zeros16
        zpush = pltpu.async_copy(
            rows_v.at[pl.ds(0, _S_PER_W)],
            acc_sh.at[pl.ds(abase, _S_PER_W)], ssem)

        pltpu.sync_copy(idx_hbm.at[wid], idx_v)
        pltpu.sync_copy(smap_hbm, smap_v)

        gathers = []
        for k in range(_NCHUNK):
            for q in range(_GCHUNK // 16):
                sl = pl.ds(q * 16, 16)
                sidx_v[k, sl] = smap_v[k, sl] + abase
            gathers.append(pltpu.async_copy(
                table_hbm.at[idx_v.at[k]],
                rows_v.at[pl.ds(k * _GCHUNK, _GCHUNK)],
                gsem,
            ))
        zpush.wait()
        for g in gathers:
            g.wait()

        scatters = [
            pltpu.async_copy(
                rows_v.at[pl.ds(k * _GCHUNK, _GCHUNK)],
                acc_sh.at[sidx_v.at[k]],
                ssem,
                add=True,
            )
            for k in range(_NCHUNK)
        ]
        for s in scatters:
            s.wait()

        pltpu.sync_copy(acc_sh.at[pl.ds(abase, _S_PER_W)],
                        rows_v.at[pl.ds(0, _S_PER_W)])
        inv = jnp.float32(1.0 / CTX)
        for s in range(_S_PER_W):
            avg_v[pl.ds(s * EMB, EMB)] = rows_v[s, pl.ds(0, EMB)] * inv

        pltpu.sync_copy(
            avg_v,
            out_hbm.at[pl.ds(wid * _S_PER_W * EMB, _S_PER_W * EMB)])

    return sc_embed_mean


_VT = 2048
_GRID = (VOCAB + _VT - 1) // _VT


def _proj_body(w_ref, avg_ref, out_ref):
    out_ref[...] = lax.dot_general(
        w_ref[...], avg_ref[...],
        dimension_numbers=(((0,), (1,)), ((), ())),
        preferred_element_type=jnp.float32,
    )


def _tc_project_t(avg_aug, w_aug):
    return pl.pallas_call(
        _proj_body,
        grid=(_GRID,),
        in_specs=[
            pl.BlockSpec((EMB + 1, _VT), lambda j: (0, j)),
            pl.BlockSpec((BATCH, EMB + 1), lambda j: (0, 0)),
        ],
        out_specs=pl.BlockSpec((_VT, BATCH), lambda j: (j, 0)),
        out_shape=jax.ShapeDtypeStruct((VOCAB, BATCH), jnp.float32),
    )(w_aug, avg_aug)


def kernel(inputs, emb_table, W, b):
    idx3 = inputs.astype(jnp.int32).reshape(_NW, _NCHUNK, _GCHUNK)
    smap = jnp.asarray(_SMAP)
    table_pad = jnp.pad(emb_table, ((0, 0), (0, 128 - EMB)))
    avg = _make_sc_embed_mean()(idx3, smap, table_pad).reshape(BATCH, EMB)
    w_aug = jnp.concatenate([W, b[None, :]], axis=0)
    avg_aug = jnp.concatenate(
        [avg, jnp.ones((BATCH, 1), jnp.float32)], axis=1)
    return _tc_project_t(avg_aug, w_aug).T

# --- scband reference (transcript-rebuilt; emitter-appended) ---
"""Pipeline reference for scband-cbowmodel-55705725829185 (READ-ONLY COPY).

The authoritative reference and input builder live on the scoring server;
editing this copy changes nothing except your own understanding.
"""

import jax, jax.numpy as jnp
import numpy as np

VOCAB = 100000
EMB = 16
BATCH = 1024
CTX = 20

def setup_inputs(seed: int = 0) -> dict:
    key = jax.random.key(seed)
    k1, k2, k3, k4 = jax.random.split(key, 4)
    inputs = jax.random.randint(k1, (BATCH, CTX), 0, VOCAB, dtype=jnp.int64)
    emb_table = jax.random.normal(k2, (VOCAB, EMB), dtype=jnp.float32) * 0.05
    W = jax.random.normal(k3, (EMB, VOCAB), dtype=jnp.float32) * (1.0 / np.sqrt(EMB))
    b = jnp.zeros((VOCAB,), dtype=jnp.float32)
    return {"inputs": inputs, "emb_table": emb_table, "W": W, "b": b}

def reference(inputs, emb_table, W, b):
    # Embedding lookup: [B, CTX] -> [B, CTX, EMB]
    embedded = jnp.take(emb_table, inputs, axis=0)
    # Mean over context window: [B, EMB]
    average = jnp.mean(embedded, axis=1)
    # Dense projection to vocab logits: [B, VOCAB]
    logits = average @ W + b
    return logits

if __name__ == "__main__":
    import jax
    _d = setup_inputs()
    print(jax.jit(kernel)(*tuple(_d.values())))

</pallas_src>

<mosaic_0001>
#map = affine_map<(d0, d1) -> (0, 0, 0)>
#map1 = affine_map<(d0, d1) -> (0, 0)>
#map2 = affine_map<(d0, d1) -> (0)>
module attributes {stable_mosaic.version = 14 : i64} {
  func.func @sc_embed_mean(%arg0: i32, %arg1: i32, %arg2: memref<32x5x128xi32, #tpu.memory_space<hbm>>, %arg3: memref<5x128xi32, #tpu.memory_space<hbm>>, %arg4: memref<100000x128xf32, #tpu.memory_space<hbm>>, %arg5: memref<16384xf32, #tpu.memory_space<hbm>>, %arg6: memref<5x128xi32, #tpu.memory_space<vmem>>, %arg7: memref<5x128xi32, #tpu.memory_space<vmem>>, %arg8: memref<5x128xi32, #tpu.memory_space<vmem>>, %arg9: memref<640x128xf32, #tpu.memory_space<vmem>>, %arg10: memref<512x128xf32, #tpu.memory_space<vmem_shared>>, %arg11: memref<512xf32, #tpu.memory_space<vmem>>, %arg12: memref<!tpu.dma_semaphore, #tpu.memory_space<semaphore_mem>>, %arg13: memref<!tpu.dma_semaphore, #tpu.memory_space<semaphore_mem>>) attributes {dimension_semantics = [#tpu.dimension_semantics<core_parallel>, #tpu.dimension_semantics<subcore_parallel>], iteration_bounds = array<i64: 2, 16>, scalar_prefetch = 0 : i64, scratch_operands = 8 : i64, tpu.core_type = #tpu.core_type<sc_vector_subcore>, window_params = [{transform_indices = #map}, {transform_indices = #map1}, {transform_indices = #map1}, {transform_indices = #map2}]} {
    %mul3A = arith.constant 2 : i32
    %mul3A_0 = arith.muli %arg1, %mul3A : i32
    %add3A = arith.addi %mul3A_0, %arg0 : i32
    %mul3A_1 = arith.constant 32 : i32
    %mul3A_2 = arith.muli %arg1, %mul3A_1 : i32
    %broadcast_in_dim3A = arith.constant 0.000000e+00 : f32
    %broadcast_in_dim3A_3 = vector.broadcast %broadcast_in_dim3A : f32 to vector<16xf32>
    %swap3A = arith.constant 0 : i32
    %swap3A_4 = arith.index_cast %swap3A : i32 to index
    %swap3A_5 = arith.constant 0 : index
    %swap3A_6 = tpu.vector_load %arg9[%swap3A_4, %swap3A_5] {strides = array<i32>} : memref<640x128xf32, #tpu.memory_space<vmem>>, vector<1x16xf32>,
    %swap3A_7 = vector.shape_cast %swap3A_6 : vector<1x16xf32> to vector<16xf32>
    %swap3A_8 = vector.shape_cast %broadcast_in_dim3A_3 : vector<16xf32> to vector<1x16xf32>
    tpu.vector_store %arg9[%swap3A_4, %swap3A_5], %swap3A_8 {strides = array<i32>} : memref<640x128xf32, #tpu.memory_space<vmem>>, vector<1x16xf32>,
    %swap3A_9 = arith.constant 1 : i32
    %swap3A_10 = arith.index_cast %swap3A_9 : i32 to index
    %swap3A_11 = arith.constant 0 : index
    %swap3A_12 = tpu.vector_load %arg9[%swap3A_10, %swap3A_11] {strides = array<i32>} : memref<640x128xf32, #tpu.memory_space<vmem>>, vector<1x16xf32>,
    %swap3A_13 = vector.shape_cast %swap3A_12 : vector<1x16xf32> to vector<16xf32>
    %swap3A_14 = vector.shape_cast %broadcast_in_dim3A_3 : vector<16xf32> to vector<1x16xf32>
    tpu.vector_store %arg9[%swap3A_10, %swap3A_11], %swap3A_14 {strides = array<i32>} : memref<640x128xf32, #tpu.memory_space<vmem>>, vector<1x16xf32>,
    %swap3A_15 = arith.constant 2 : i32
    %swap3A_16 = arith.index_cast %swap3A_15 : i32 to index
    %swap3A_17 = arith.constant 0 : index
    %swap3A_18 = tpu.vector_load %arg9[%swap3A_16, %swap3A_17] {strides = array<i32>} : memref<640x128xf32, #tpu.memory_space<vmem>>, vector<1x16xf32>,
    %swap3A_19 = vector.shape_cast %swap3A_18 : vector<1x16xf32> to vector<16xf32>
    %swap3A_20 = vector.shape_cast %broadcast_in_dim3A_3 : vector<16xf32> to vector<1x16xf32>
    tpu.vector_store %arg9[%swap3A_16, %swap3A_17], %swap3A_20 {strides = array<i32>} : memref<640x128xf32, #tpu.memory_space<vmem>>, vector<1x16xf32>,
    %swap3A_21 = arith.constant 3 : i32
    %swap3A_22 = arith.index_cast %swap3A_21 : i32 to index
    %swap3A_23 = arith.constant 0 : index
    %swap3A_24 = tpu.vector_load %arg9[%swap3A_22, %swap3A_23] {strides = array<i32>} : memref<640x128xf32, #tpu.memory_space<vmem>>, vector<1x16xf32>,
    %swap3A_25 = vector.shape_cast %swap3A_24 : vector<1x16xf32> to vector<16xf32>
    %swap3A_26 = vector.shape_cast %broadcast_in_dim3A_3 : vector<16xf32> to vector<1x16xf32>
    tpu.vector_store %arg9[%swap3A_22, %swap3A_23], %swap3A_26 {strides = array<i32>} : memref<640x128xf32, #tpu.memory_space<vmem>>, vector<1x16xf32>,
    %swap3A_27 = arith.constant 4 : i32
    %swap3A_28 = arith.index_cast %swap3A_27 : i32 to index
    %swap3A_29 = arith.constant 0 : index
    %swap3A_30 = tpu.vector_load %arg9[%swap3A_28, %swap3A_29] {strides = array<i32>} : memref<640x128xf32, #tpu.memory_space<vmem>>, vector<1x16xf32>,
    %swap3A_31 = vector.shape_cast %swap3A_30 : vector<1x16xf32> to vector<16xf32>
    %swap3A_32 = vector.shape_cast %broadcast_in_dim3A_3 : vector<16xf32> to vector<1x16xf32>
    tpu.vector_store %arg9[%swap3A_28, %swap3A_29], %swap3A_32 {strides = array<i32>} : memref<640x128xf32, #tpu.memory_space<vmem>>, vector<1x16xf32>,
    %swap3A_33 = arith.constant 5 : i32
    %swap3A_34 = arith.index_cast %swap3A_33 : i32 to index
    %swap3A_35 = arith.constant 0 : index
    %swap3A_36 = tpu.vector_load %arg9[%swap3A_34, %swap3A_35] {strides = array<i32>} : memref<640x128xf32, #tpu.memory_space<vmem>>, vector<1x16xf32>,
    %swap3A_37 = vector.shape_cast %swap3A_36 : vector<1x16xf32> to vector<16xf32>
    %swap3A_38 = vector.shape_cast %broadcast_in_dim3A_3 : vector<16xf32> to vector<1x16xf32>
    tpu.vector_store %arg9[%swap3A_34, %swap3A_35], %swap3A_38 {strides = array<i32>} : memref<640x128xf32, #tpu.memory_space<vmem>>, vector<1x16xf32>,
    %swap3A_39 = arith.constant 6 : i32
    %swap3A_40 = arith.index_cast %swap3A_39 : i32 to index
    %swap3A_41 = arith.constant 0 : index
    %swap3A_42 = tpu.vector_load %arg9[%swap3A_40, %swap3A_41] {strides = array<i32>} : memref<640x128xf32, #tpu.memory_space<vmem>>, vector<1x16xf32>,
    %swap3A_43 = vector.shape_cast %swap3A_42 : vector<1x16xf32> to vector<16xf32>
    %swap3A_44 = vector.shape_cast %broadcast_in_dim3A_3 : vector<16xf32> to vector<1x16xf32>
    tpu.vector_store %arg9[%swap3A_40, %swap3A_41], %swap3A_44 {strides = array<i32>} : memref<640x128xf32, #tpu.memory_space<vmem>>, vector<1x16xf32>,
    %swap3A_45 = arith.constant 7 : i32
    %swap3A_46 = arith.index_cast %swap3A_45 : i32 to index
    %swap3A_47 = arith.constant 0 : index
    %swap3A_48 = tpu.vector_load %arg9[%swap3A_46, %swap3A_47] {strides = array<i32>} : memref<640x128xf32, #tpu.memory_space<vmem>>, vector<1x16xf32>,
    %swap3A_49 = vector.shape_cast %swap3A_48 : vector<1x16xf32> to vector<16xf32>
    %swap3A_50 = vector.shape_cast %broadcast_in_dim3A_3 : vector<16xf32> to vector<1x16xf32>
    tpu.vector_store %arg9[%swap3A_46, %swap3A_47], %swap3A_50 {strides = array<i32>} : memref<640x128xf32, #tpu.memory_space<vmem>>, vector<1x16xf32>,
    %swap3A_51 = arith.constant 8 : i32
    %swap3A_52 = arith.index_cast %swap3A_51 : i32 to index
    %swap3A_53 = arith.constant 0 : index
    %swap3A_54 = tpu.vector_load %arg9[%swap3A_52, %swap3A_53] {strides = array<i32>} : memref<640x128xf32, #tpu.memory_space<vmem>>, vector<1x16xf32>,
    %swap3A_55 = vector.shape_cast %swap3A_54 : vector<1x16xf32> to vector<16xf32>
    %swap3A_56 = vector.shape_cast %broadcast_in_dim3A_3 : vector<16xf32> to vector<1x16xf32>
    tpu.vector_store %arg9[%swap3A_52, %swap3A_53], %swap3A_56 {strides = array<i32>} : memref<640x128xf32, #tpu.memory_space<vmem>>, vector<1x16xf32>,
    %swap3A_57 = arith.constant 9 : i32
    %swap3A_58 = arith.index_cast %swap3A_57 : i32 to index
    %swap3A_59 = arith.constant 0 : index
    %swap3A_60 = tpu.vector_load %arg9[%swap3A_58, %swap3A_59] {strides = array<i32>} : memref<640x128xf32, #tpu.memory_space<vmem>>, vector<1x16xf32>,
    %swap3A_61 = vector.shape_cast %swap3A_60 : vector<1x16xf32> to vector<16xf32>
    %swap3A_62 = vector.shape_cast %broadcast_in_dim3A_3 : vector<16xf32> to vector<1x16xf32>
    tpu.vector_store %arg9[%swap3A_58, %swap3A_59], %swap3A_62 {strides = array<i32>} : memref<640x128xf32, #tpu.memory_space<vmem>>, vector<1x16xf32>,
    %swap3A_63 = arith.constant 10 : i32
    %swap3A_64 = arith.index_cast %swap3A_63 : i32 to index
    %swap3A_65 = arith.constant 0 : index
    %swap3A_66 = tpu.vector_load %arg9[%swap3A_64, %swap3A_65] {strides = array<i32>} : memref<640x128xf32, #tpu.memory_space<vmem>>, vector<1x16xf32>,
    %swap3A_67 = vector.shape_cast %swap3A_66 : vector<1x16xf32> to vector<16xf32>
    %swap3A_68 = vector.shape_cast %broadcast_in_dim3A_3 : vector<16xf32> to vector<1x16xf32>
    tpu.vector_store %arg9[%swap3A_64, %swap3A_65], %swap3A_68 {strides = array<i32>} : memref<640x128xf32, #tpu.memory_space<vmem>>, vector<1x16xf32>,
    %swap3A_69 = arith.constant 11 : i32
    %swap3A_70 = arith.index_cast %swap3A_69 : i32 to index
    %swap3A_71 = arith.constant 0 : index
    %swap3A_72 = tpu.vector_load %arg9[%swap3A_70, %swap3A_71] {strides = array<i32>} : memref<640x128xf32, #tpu.memory_space<vmem>>, vector<1x16xf32>,
    %swap3A_73 = vector.shape_cast %swap3A_72 : vector<1x16xf32> to vector<16xf32>
    %swap3A_74 = vector.shape_cast %broadcast_in_dim3A_3 : vector<16xf32> to vector<1x16xf32>
    tpu.vector_store %arg9[%swap3A_70, %swap3A_71], %swap3A_74 {strides = array<i32>} : memref<640x128xf32, #tpu.memory_space<vmem>>, vector<1x16xf32>,
    %swap3A_75 = arith.constant 12 : i32
    %swap3A_76 = arith.index_cast %swap3A_75 : i32 to index
    %swap3A_77 = arith.constant 0 : index
    %swap3A_78 = tpu.vector_load %arg9[%swap3A_76, %swap3A_77] {strides = array<i32>} : memref<640x128xf32, #tpu.memory_space<vmem>>, vector<1x16xf32>,
    %swap3A_79 = vector.shape_cast %swap3A_78 : vector<1x16xf32> to vector<16xf32>
    %swap3A_80 = vector.shape_cast %broadcast_in_dim3A_3 : vector<16xf32> to vector<1x16xf32>
    tpu.vector_store %arg9[%swap3A_76, %swap3A_77], %swap3A_80 {strides = array<i32>} : memref<640x128xf32, #tpu.memory_space<vmem>>, vector<1x16xf32>,
    %swap3A_81 = arith.constant 13 : i32
    %swap3A_82 = arith.index_cast %swap3A_81 : i32 to index
    %swap3A_83 = arith.constant 0 : index
    %swap3A_84 = tpu.vector_load %arg9[%swap3A_82, %swap3A_83] {strides = array<i32>} : memref<640x128xf32, #tpu.memory_space<vmem>>, vector<1x16xf32>,
    %swap3A_85 = vector.shape_cast %swap3A_84 : vector<1x16xf32> to vector<16xf32>
    %swap3A_86 = vector.shape_cast %broadcast_in_dim3A_3 : vector<16xf32> to vector<1x16xf32>
    tpu.vector_store %arg9[%swap3A_82, %swap3A_83], %swap3A_86 {strides = array<i32>} : memref<640x128xf32, #tpu.memory_space<vmem>>, vector<1x16xf32>,
    %swap3A_87 = arith.constant 14 : i32
    %swap3A_88 = arith.index_cast %swap3A_87 : i32 to index
    %swap3A_89 = arith.constant 0 : index
    %swap3A_90 = tpu.vector_load %arg9[%swap3A_88, %swap3A_89] {strides = array<i32>} : memref<640x128xf32, #tpu.memory_space<vmem>>, vector<1x16xf32>,
    %swap3A_91 = vector.shape_cast %swap3A_90 : vector<1x16xf32> to vector<16xf32>
    %swap3A_92 = vector.shape_cast %broadcast_in_dim3A_3 : vector<16xf32> to vector<1x16xf32>
    tpu.vector_store %arg9[%swap3A_88, %swap3A_89], %swap3A_92 {strides = array<i32>} : memref<640x128xf32, #tpu.memory_space<vmem>>, vector<1x16xf32>,
    %swap3A_93 = arith.constant 15 : i32
    %swap3A_94 = arith.index_cast %swap3A_93 : i32 to index
    %swap3A_95 = arith.constant 0 : index
    %swap3A_96 = tpu.vector_load %arg9[%swap3A_94, %swap3A_95] {strides = array<i32>} : memref<640x128xf32, #tpu.memory_space<vmem>>, vector<1x16xf32>,
    %swap3A_97 = vector.shape_cast %swap3A_96 : vector<1x16xf32> to vector<16xf32>
    %swap3A_98 = vector.shape_cast %broadcast_in_dim3A_3 : vector<16xf32> to vector<1x16xf32>
    tpu.vector_store %arg9[%swap3A_94, %swap3A_95], %swap3A_98 {strides = array<i32>} : memref<640x128xf32, #tpu.memory_space<vmem>>, vector<1x16xf32>,
    %swap3A_99 = arith.constant 16 : i32
    %swap3A_100 = arith.index_cast %swap3A_99 : i32 to index
    %swap3A_101 = arith.constant 0 : index
    %swap3A_102 = tpu.vector_load %arg9[%swap3A_100, %swap3A_101] {strides = array<i32>} : memref<640x128xf32, #tpu.memory_space<vmem>>, vector<1x16xf32>,
    %swap3A_103 = vector.shape_cast %swap3A_102 : vector<1x16xf32> to vector<16xf32>
    %swap3A_104 = vector.shape_cast %broadcast_in_dim3A_3 : vector<16xf32> to vector<1x16xf32>
    tpu.vector_store %arg9[%swap3A_100, %swap3A_101], %swap3A_104 {strides = array<i32>} : memref<640x128xf32, #tpu.memory_space<vmem>>, vector<1x16xf32>,
    %swap3A_105 = arith.constant 17 : i32
    %swap3A_106 = arith.index_cast %swap3A_105 : i32 to index
    %swap3A_107 = arith.constant 0 : index
    %swap3A_108 = tpu.vector_load %arg9[%swap3A_106, %swap3A_107] {strides = array<i32>} : memref<640x128xf32, #tpu.memory_space<vmem>>, vector<1x16xf32>,
    %swap3A_109 = vector.shape_cast %swap3A_108 : vector<1x16xf32> to vector<16xf32>
    %swap3A_110 = vector.shape_cast %broadcast_in_dim3A_3 : vector<16xf32> to vector<1x16xf32>
    tpu.vector_store %arg9[%swap3A_106, %swap3A_107], %swap3A_110 {strides = array<i32>} : memref<640x128xf32, #tpu.memory_space<vmem>>, vector<1x16xf32>,
    %swap3A_111 = arith.constant 18 : i32
    %swap3A_112 = arith.index_cast %swap3A_111 : i32 to index
    %swap3A_113 = arith.constant 0 : index
    %swap3A_114 = tpu.vector_load %arg9[%swap3A_112, %swap3A_113] {strides = array<i32>} : memref<640x128xf32, #tpu.memory_space<vmem>>, vector<1x16xf32>,
    %swap3A_115 = vector.shape_cast %swap3A_114 : vector<1x16xf32> to vector<16xf32>
    %swap3A_116 = vector.shape_cast %broadcast_in_dim3A_3 : vector<16xf32> to vector<1x16xf32>
    tpu.vector_store %arg9[%swap3A_112, %swap3A_113], %swap3A_116 {strides = array<i32>} : memref<640x128xf32, #tpu.memory_space<vmem>>, vector<1x16xf32>,
    %swap3A_117 = arith.constant 19 : i32
    %swap3A_118 = arith.index_cast %swap3A_117 : i32 to index
    %swap3A_119 = arith.constant 0 : index
    %swap3A_120 = tpu.vector_load %arg9[%swap3A_118, %swap3A_119] {strides = array<i32>} : memref<640x128xf32, #tpu.memory_space<vmem>>, vector<1x16xf32>,
    %swap3A_121 = vector.shape_cast %swap3A_120 : vector<1x16xf32> to vector<16xf32>
    %swap3A_122 = vector.shape_cast %broadcast_in_dim3A_3 : vector<16xf32> to vector<1x16xf32>
    tpu.vector_store %arg9[%swap3A_118, %swap3A_119], %swap3A_122 {strides = array<i32>} : memref<640x128xf32, #tpu.memory_space<vmem>>, vector<1x16xf32>,
    %swap3A_123 = arith.constant 20 : i32
    %swap3A_124 = arith.index_cast %swap3A_123 : i32 to index
    %swap3A_125 = arith.constant 0 : index
    %swap3A_126 = tpu.vector_load %arg9[%swap3A_124, %swap3A_125] {strides = array<i32>} : memref<640x128xf32, #tpu.memory_space<vmem>>, vector<1x16xf32>,
    %swap3A_127 = vector.shape_cast %swap3A_126 : vector<1x16xf32> to vector<16xf32>
    %swap3A_128 = vector.shape_cast %broadcast_in_dim3A_3 : vector<16xf32> to vector<1x16xf32>
    tpu.vector_store %arg9[%swap3A_124, %swap3A_125], %swap3A_128 {strides = array<i32>} : memref<640x128xf32, #tpu.memory_space<vmem>>, vector<1x16xf32>,
    %swap3A_129 = arith.constant 21 : i32
    %swap3A_130 = arith.index_cast %swap3A_129 : i32 to index
    %swap3A_131 = arith.constant 0 : index
    %swap3A_132 = tpu.vector_load %arg9[%swap3A_130, %swap3A_131] {strides = array<i32>} : memref<640x128xf32, #tpu.memory_space<vmem>>, vector<1x16xf32>,
    %swap3A_133 = vector.shape_cast %swap3A_132 : vector<1x16xf32> to vector<16xf32>
    %swap3A_134 = vector.shape_cast %broadcast_in_dim3A_3 : vector<16xf32> to vector<1x16xf32>
    tpu.vector_store %arg9[%swap3A_130, %swap3A_131], %swap3A_134 {strides = array<i32>} : memref<640x128xf32, #tpu.memory_space<vmem>>, vector<1x16xf32>,
    %swap3A_135 = arith.constant 22 : i32
    %swap3A_136 = arith.index_cast %swap3A_135 : i32 to index
    %swap3A_137 = arith.constant 0 : index
    %swap3A_138 = tpu.vector_load %arg9[%swap3A_136, %swap3A_137] {strides = array<i32>} : memref<640x128xf32, #tpu.memory_space<vmem>>, vector<1x16xf32>,
    %swap3A_139 = vector.shape_cast %swap3A_138 : vector<1x16xf32> to vector<16xf32>
    %swap3A_140 = vector.shape_cast %broadcast_in_dim3A_3 : vector<16xf32> to vector<1x16xf32>
    tpu.vector_store %arg9[%swap3A_136, %swap3A_137], %swap3A_140 {strides = array<i32>} : memref<640x128xf32, #tpu.memory_space<vmem>>, vector<1x16xf32>,
    %swap3A_141 = arith.constant 23 : i32
    %swap3A_142 = arith.index_cast %swap3A_141 : i32 to index
    %swap3A_143 = arith.constant 0 : index
    %swap3A_144 = tpu.vector_load %arg9[%swap3A_142, %swap3A_143] {strides = array<i32>} : memref<640x128xf32, #tpu.memory_space<vmem>>, vector<1x16xf32>,
    %swap3A_145 = vector.shape_cast %swap3A_144 : vector<1x16xf32> to vector<16xf32>
    %swap3A_146 = vector.shape_cast %broadcast_in_dim3A_3 : vector<16xf32> to vector<1x16xf32>
    tpu.vector_store %arg9[%swap3A_142, %swap3A_143], %swap3A_146 {strides = array<i32>} : memref<640x128xf32, #tpu.memory_space<vmem>>, vector<1x16xf32>,
    %swap3A_147 = arith.constant 24 : i32
    %swap3A_148 = arith.index_cast %swap3A_147 : i32 to index
    %swap3A_149 = arith.constant 0 : index
    %swap3A_150 = tpu.vector_load %arg9[%swap3A_148, %swap3A_149] {strides = array<i32>} : memref<640x128xf32, #tpu.memory_space<vmem>>, vector<1x16xf32>,
    %swap3A_151 = vector.shape_cast %swap3A_150 : vector<1x16xf32> to vector<16xf32>
    %swap3A_152 = vector.shape_cast %broadcast_in_dim3A_3 : vector<16xf32> to vector<1x16xf32>
    tpu.vector_store %arg9[%swap3A_148, %swap3A_149], %swap3A_152 {strides = array<i32>} : memref<640x128xf32, #tpu.memory_space<vmem>>, vector<1x16xf32>,
    %swap3A_153 = arith.constant 25 : i32
    %swap3A_154 = arith.index_cast %swap3A_153 : i32 to index
    %swap3A_155 = arith.constant 0 : index
    %swap3A_156 = tpu.vector_load %arg9[%swap3A_154, %swap3A_155] {strides = array<i32>} : memref<640x128xf32, #tpu.memory_space<vmem>>, vector<1x16xf32>,
    %swap3A_157 = vector.shape_cast %swap3A_156 : vector<1x16xf32> to vector<16xf32>
    %swap3A_158 = vector.shape_cast %broadcast_in_dim3A_3 : vector<16xf32> to vector<1x16xf32>
    tpu.vector_store %arg9[%swap3A_154, %swap3A_155], %swap3A_158 {strides = array<i32>} : memref<640x128xf32, #tpu.memory_space<vmem>>, vector<1x16xf32>,
    %swap3A_159 = arith.constant 26 : i32
    %swap3A_160 = arith.index_cast %swap3A_159 : i32 to index
    %swap3A_161 = arith.constant 0 : index
    %swap3A_162 = tpu.vector_load %arg9[%swap3A_160, %swap3A_161] {strides = array<i32>} : memref<640x128xf32, #tpu.memory_space<vmem>>, vector<1x16xf32>,
    %swap3A_163 = vector.shape_cast %swap3A_162 : vector<1x16xf32> to vector<16xf32>
    %swap3A_164 = vector.shape_cast %broadcast_in_dim3A_3 : vector<16xf32> to vector<1x16xf32>
    tpu.vector_store %arg9[%swap3A_160, %swap3A_161], %swap3A_164 {strides = array<i32>} : memref<640x128xf32, #tpu.memory_space<vmem>>, vector<1x16xf32>,
    %swap3A_165 = arith.constant 27 : i32
    %swap3A_166 = arith.index_cast %swap3A_165 : i32 to index
    %swap3A_167 = arith.constant 0 : index
    %swap3A_168 = tpu.vector_load %arg9[%swap3A_166, %swap3A_167] {strides = array<i32>} : memref<640x128xf32, #tpu.memory_space<vmem>>, vector<1x16xf32>,
    %swap3A_169 = vector.shape_cast %swap3A_168 : vector<1x16xf32> to vector<16xf32>
    %swap3A_170 = vector.shape_cast %broadcast_in_dim3A_3 : vector<16xf32> to vector<1x16xf32>
    tpu.vector_store %arg9[%swap3A_166, %swap3A_167], %swap3A_170 {strides = array<i32>} : memref<640x128xf32, #tpu.memory_space<vmem>>, vector<1x16xf32>,
    %swap3A_171 = arith.constant 28 : i32
    %swap3A_172 = arith.index_cast %swap3A_171 : i32 to index
    %swap3A_173 = arith.constant 0 : index
    %swap3A_174 = tpu.vector_load %arg9[%swap3A_172, %swap3A_173] {strides = array<i32>} : memref<640x128xf32, #tpu.memory_space<vmem>>, vector<1x16xf32>,
    %swap3A_175 = vector.shape_cast %swap3A_174 : vector<1x16xf32> to vector<16xf32>
    %swap3A_176 = vector.shape_cast %broadcast_in_dim3A_3 : vector<16xf32> to vector<1x16xf32>
    tpu.vector_store %arg9[%swap3A_172, %swap3A_173], %swap3A_176 {strides = array<i32>} : memref<640x128xf32, #tpu.memory_space<vmem>>, vector<1x16xf32>,
    %swap3A_177 = arith.constant 29 : i32
    %swap3A_178 = arith.index_cast %swap3A_177 : i32 to index
    %swap3A_179 = arith.constant 0 : index
    %swap3A_180 = tpu.vector_load %arg9[%swap3A_178, %swap3A_179] {strides = array<i32>} : memref<640x128xf32, #tpu.memory_space<vmem>>, vector<1x16xf32>,
    %swap3A_181 = vector.shape_cast %swap3A_180 : vector<1x16xf32> to vector<16xf32>
    %swap3A_182 = vector.shape_cast %broadcast_in_dim3A_3 : vector<16xf32> to vector<1x16xf32>
    tpu.vector_store %arg9[%swap3A_178, %swap3A_179], %swap3A_182 {strides = array<i32>} : memref<640x128xf32, #tpu.memory_space<vmem>>, vector<1x16xf32>,
    %swap3A_183 = arith.constant 30 : i32
    %swap3A_184 = arith.index_cast %swap3A_183 : i32 to index
    %swap3A_185 = arith.constant 0 : index
    %swap3A_186 = tpu.vector_load %arg9[%swap3A_184, %swap3A_185] {strides = array<i32>} : memref<640x128xf32, #tpu.memory_space<vmem>>, vector<1x16xf32>,
    %swap3A_187 = vector.shape_cast %swap3A_186 : vector<1x16xf32> to vector<16xf32>
    %swap3A_188 = vector.shape_cast %broadcast_in_dim3A_3 : vector<16xf32> to vector<1x16xf32>
    tpu.vector_store %arg9[%swap3A_184, %swap3A_185], %swap3A_188 {strides = array<i32>} : memref<640x128xf32, #tpu.memory_space<vmem>>, vector<1x16xf32>,
    %swap3A_189 = arith.constant 31 : i32
    %swap3A_190 = arith.index_cast %swap3A_189 : i32 to index
    %swap3A_191 = arith.constant 0 : index
    %swap3A_192 = tpu.vector_load %arg9[%swap3A_190, %swap3A_191] {strides = array<i32>} : memref<640x128xf32, #tpu.memory_space<vmem>>, vector<1x16xf32>,
    %swap3A_193 = vector.shape_cast %swap3A_192 : vector<1x16xf32> to vector<16xf32>
    %swap3A_194 = vector.shape_cast %broadcast_in_dim3A_3 : vector<16xf32> to vector<1x16xf32>
    tpu.vector_store %arg9[%swap3A_190, %swap3A_191], %swap3A_194 {strides = array<i32>} : memref<640x128xf32, #tpu.memory_space<vmem>>, vector<1x16xf32>,
    %dma_start3A = arith.constant 0 : i32
    %dma_start3A_195 = arith.constant 0 : i32
    %dma_start3A_196 = tpu.memref_slice %arg9[%dma_start3A, %dma_start3A_195] : memref<640x128xf32, #tpu.memory_space<vmem>> -> memref<32x128xf32, #tpu.memory_space<vmem>>
    %dma_start3A_197 = arith.constant 0 : i32
    %dma_start3A_198 = tpu.memref_slice %arg10[%mul3A_2, %dma_start3A_197] : memref<512x128xf32, #tpu.memory_space<vmem_shared>> -> memref<32x128xf32, #tpu.memory_space<vmem_shared>>
    %dma_start3A_199 = arith.constant 0 : i32
    %dma_start3A_200 = tpu.memref_slice %arg10[%mul3A_2, %dma_start3A_199] : memref<512x128xf32, #tpu.memory_space<vmem_shared>> -> memref<32x128xf32, #tpu.memory_space<vmem_shared>>
    %dma_start3A_201 = arith.constant 0 : i32
    %dma_start3A_202 = arith.constant 0 : i32
    %dma_start3A_203 = tpu.memref_slice %arg9[%dma_start3A_201, %dma_start3A_202] : memref<640x128xf32, #tpu.memory_space<vmem>> -> memref<32x128xf32, #tpu.memory_space<vmem>>
    tpu.enqueue_dma source(%dma_start3A_203 : memref<32x128xf32, #tpu.memory_space<vmem>>) target(%dma_start3A_200 : memref<32x128xf32, #tpu.memory_space<vmem_shared>>) target_semaphore(%arg13 : memref<!tpu.dma_semaphore, #tpu.memory_space<semaphore_mem>>)
    "tpu.region"() ({
      %run_scoped3A = tpu.sem_alloc : memref<!tpu.dma_semaphore, #tpu.memory_space<semaphore_mem>>
      %dma_start3A_1320 = arith.constant 0 : i32
      %dma_start3A_1321 = arith.constant 0 : i32
      %dma_start3A_1322 = tpu.memref_slice %arg2[%add3A, %dma_start3A_1320, %dma_start3A_1321] : memref<32x5x128xi32, #tpu.memory_space<hbm>> -> memref<1x5x128xi32, #tpu.memory_space<hbm>>
      %dma_start3A_1323 = tpu.memref_squeeze %dma_start3A_1322 : memref<1x5x128xi32, #tpu.memory_space<hbm>> -> memref<5x128xi32, #tpu.memory_space<hbm>>
      %dma_start3A_1324 = arith.constant 0 : i32
      %dma_start3A_1325 = arith.constant 0 : i32
      %dma_start3A_1326 = tpu.memref_slice %arg2[%add3A, %dma_start3A_1324, %dma_start3A_1325] : memref<32x5x128xi32, #tpu.memory_space<hbm>> -> memref<1x5x128xi32, #tpu.memory_space<hbm>>
      %dma_start3A_1327 = tpu.memref_squeeze %dma_start3A_1326 : memref<1x5x128xi32, #tpu.memory_space<hbm>> -> memref<5x128xi32, #tpu.memory_space<hbm>>
      tpu.enqueue_dma source(%dma_start3A_1327 : memref<5x128xi32, #tpu.memory_space<hbm>>) target(%arg6 : memref<5x128xi32, #tpu.memory_space<vmem>>) target_semaphore(%run_scoped3A : memref<!tpu.dma_semaphore, #tpu.memory_space<semaphore_mem>>)
      %dma_wait3A_1328 = arith.constant 0 : i32
      %dma_wait3A_1329 = arith.constant 0 : i32
      %dma_wait3A_1330 = tpu.memref_slice %arg2[%add3A, %dma_wait3A_1328, %dma_wait3A_1329] : memref<32x5x128xi32, #tpu.memory_space<hbm>> -> memref<1x5x128xi32, #tpu.memory_space<hbm>>
      %dma_wait3A_1331 = tpu.memref_squeeze %dma_wait3A_1330 : memref<1x5x128xi32, #tpu.memory_space<hbm>> -> memref<5x128xi32, #tpu.memory_space<hbm>>
      %dma_wait3A_1332 = arith.constant 0 : i32
      %dma_wait3A_1333 = arith.constant 0 : i32
      %dma_wait3A_1334 = tpu.memref_slice %arg2[%add3A, %dma_wait3A_1332, %dma_wait3A_1333] : memref<32x5x128xi32, #tpu.memory_space<hbm>> -> memref<1x5x128xi32, #tpu.memory_space<hbm>>
      %dma_wait3A_1335 = tpu.memref_squeeze %dma_wait3A_1334 : memref<1x5x128xi32, #tpu.memory_space<hbm>> -> memref<5x128xi32, #tpu.memory_space<hbm>>
      tpu.wait_dma2 semaphore(%run_scoped3A : memref<!tpu.dma_semaphore, #tpu.memory_space<semaphore_mem>>) src(%dma_wait3A_1335 : memref<5x128xi32, #tpu.memory_space<hbm>>) dst(%arg6 : memref<5x128xi32, #tpu.memory_space<vmem>>)
      tpu.yield
    }) : () -> ()
    "tpu.region"() ({
      %run_scoped3A = tpu.sem_alloc : memref<!tpu.dma_semaphore, #tpu.memory_space<semaphore_mem>>
      tpu.enqueue_dma source(%arg3 : memref<5x128xi32, #tpu.memory_space<hbm>>) target(%arg7 : memref<5x128xi32, #tpu.memory_space<vmem>>) target_semaphore(%run_scoped3A : memref<!tpu.dma_semaphore, #tpu.memory_space<semaphore_mem>>)
      tpu.wait_dma2 semaphore(%run_scoped3A : memref<!tpu.dma_semaphore, #tpu.memory_space<semaphore_mem>>) src(%arg3 : memref<5x128xi32, #tpu.memory_space<hbm>>) dst(%arg7 : memref<5x128xi32, #tpu.memory_space<vmem>>)
      tpu.yield
    }) : () -> ()
    %get3A = arith.constant 0 : i32
    %get3A_204 = arith.index_cast %get3A : i32 to index
    %get3A_205 = arith.constant 0 : index
    %get3A_206 = tpu.vector_load %arg7[%get3A_204, %get3A_205] {strides = array<i32>} : memref<5x128xi32, #tpu.memory_space<vmem>>, vector<1x16xi32>,
    %get3A_207 = vector.shape_cast %get3A_206 : vector<1x16xi32> to vector<16xi32>
    %add3A_208 = vector.broadcast %mul3A_2 : i32 to vector<16xi32>
    %add3A_209 = arith.addi %get3A_207, %add3A_208 : vector<16xi32>
    %swap3A_210 = arith.constant 0 : i32
    %swap3A_211 = arith.index_cast %swap3A_210 : i32 to index
    %swap3A_212 = arith.constant 0 : index
    %swap3A_213 = tpu.vector_load %arg8[%swap3A_211, %swap3A_212] {strides = array<i32>} : memref<5x128xi32, #tpu.memory_space<vmem>>, vector<1x16xi32>,
    %swap3A_214 = vector.shape_cast %swap3A_213 : vector<1x16xi32> to vector<16xi32>
    %swap3A_215 = vector.shape_cast %add3A_209 : vector<16xi32> to vector<1x16xi32>
    tpu.vector_store %arg8[%swap3A_211, %swap3A_212], %swap3A_215 {strides = array<i32>} : memref<5x128xi32, #tpu.memory_space<vmem>>, vector<1x16xi32>,
    %get3A_216 = arith.constant 0 : i32
    %get3A_217 = arith.index_cast %get3A_216 : i32 to index
    %get3A_218 = arith.constant 16 : index
    %get3A_219 = tpu.vector_load %arg7[%get3A_217, %get3A_218] {strides = array<i32>} : memref<5x128xi32, #tpu.memory_space<vmem>>, vector<1x16xi32>,
    %get3A_220 = vector.shape_cast %get3A_219 : vector<1x16xi32> to vector<16xi32>
    %add3A_221 = vector.broadcast %mul3A_2 : i32 to vector<16xi32>
    %add3A_222 = arith.addi %get3A_220, %add3A_221 : vector<16xi32>
    %swap3A_223 = arith.constant 0 : i32
    %swap3A_224 = arith.index_cast %swap3A_223 : i32 to index
    %swap3A_225 = arith.constant 16 : index
    %swap3A_226 = tpu.vector_load %arg8[%swap3A_224, %swap3A_225] {strides = array<i32>} : memref<5x128xi32, #tpu.memory_space<vmem>>, vector<1x16xi32>,
    %swap3A_227 = vector.shape_cast %swap3A_226 : vector<1x16xi32> to vector<16xi32>
    %swap3A_228 = vector.shape_cast %add3A_222 : vector<16xi32> to vector<1x16xi32>
    tpu.vector_store %arg8[%swap3A_224, %swap3A_225], %swap3A_228 {strides = array<i32>} : memref<5x128xi32, #tpu.memory_space<vmem>>, vector<1x16xi32>,
    %get3A_229 = arith.constant 0 : i32
    %get3A_230 = arith.index_cast %get3A_229 : i32 to index
    %get3A_231 = arith.constant 32 : index
    %get3A_232 = tpu.vector_load %arg7[%get3A_230, %get3A_231] {strides = array<i32>} : memref<5x128xi32, #tpu.memory_space<vmem>>, vector<1x16xi32>,
    %get3A_233 = vector.shape_cast %get3A_232 : vector<1x16xi32> to vector<16xi32>
    %add3A_234 = vector.broadcast %mul3A_2 : i32 to vector<16xi32>
    %add3A_235 = arith.addi %get3A_233, %add3A_234 : vector<16xi32>
    %swap3A_236 = arith.constant 0 : i32
    %swap3A_237 = arith.index_cast %swap3A_236 : i32 to index
    %swap3A_238 = arith.constant 32 : index
    %swap3A_239 = tpu.vector_load %arg8[%swap3A_237, %swap3A_238] {strides = array<i32>} : memref<5x128xi32, #tpu.memory_space<vmem>>, vector<1x16xi32>,
    %swap3A_240 = vector.shape_cast %swap3A_239 : vector<1x16xi32> to vector<16xi32>
    %swap3A_241 = vector.shape_cast %add3A_235 : vector<16xi32> to vector<1x16xi32>
    tpu.vector_store %arg8[%swap3A_237, %swap3A_238], %swap3A_241 {strides = array<i32>} : memref<5x128xi32, #tpu.memory_space<vmem>>, vector<1x16xi32>,
    %get3A_242 = arith.constant 0 : i32
    %get3A_243 = arith.index_cast %get3A_242 : i32 to index
    %get3A_244 = arith.constant 48 : index
    %get3A_245 = tpu.vector_load %arg7[%get3A_243, %get3A_244] {strides = array<i32>} : memref<5x128xi32, #tpu.memory_space<vmem>>, vector<1x16xi32>,
    %get3A_246 = vector.shape_cast %get3A_245 : vector<1x16xi32> to vector<16xi32>
    %add3A_247 = vector.broadcast %mul3A_2 : i32 to vector<16xi32>
    %add3A_248 = arith.addi %get3A_246, %add3A_247 : vector<16xi32>
    %swap3A_249 = arith.constant 0 : i32
    %swap3A_250 = arith.index_cast %swap3A_249 : i32 to index
    %swap3A_251 = arith.constant 48 : index
    %swap3A_252 = tpu.vector_load %arg8[%swap3A_250, %swap3A_251] {strides = array<i32>} : memref<5x128xi32, #tpu.memory_space<vmem>>, vector<1x16xi32>,
    %swap3A_253 = vector.shape_cast %swap3A_252 : vector<1x16xi32> to vector<16xi32>
    %swap3A_254 = vector.shape_cast %add3A_248 : vector<16xi32> to vector<1x16xi32>
    tpu.vector_store %arg8[%swap3A_250, %swap3A_251], %swap3A_254 {strides = array<i32>} : memref<5x128xi32, #tpu.memory_space<vmem>>, vector<1x16xi32>,
    %get3A_255 = arith.constant 0 : i32
    %get3A_256 = arith.index_cast %get3A_255 : i32 to index
    %get3A_257 = arith.constant 64 : index
    %get3A_258 = tpu.vector_load %arg7[%get3A_256, %get3A_257] {strides = array<i32>} : memref<5x128xi32, #tpu.memory_space<vmem>>, vector<1x16xi32>,
    %get3A_259 = vector.shape_cast %get3A_258 : vector<1x16xi32> to vector<16xi32>
    %add3A_260 = vector.broadcast %mul3A_2 : i32 to vector<16xi32>
    %add3A_261 = arith.addi %get3A_259, %add3A_260 : vector<16xi32>
    %swap3A_262 = arith.constant 0 : i32
    %swap3A_263 = arith.index_cast %swap3A_262 : i32 to index
    %swap3A_264 = arith.constant 64 : index
    %swap3A_265 = tpu.vector_load %arg8[%swap3A_263, %swap3A_264] {strides = array<i32>} : memref<5x128xi32, #tpu.memory_space<vmem>>, vector<1x16xi32>,
    %swap3A_266 = vector.shape_cast %swap3A_265 : vector<1x16xi32> to vector<16xi32>
    %swap3A_267 = vector.shape_cast %add3A_261 : vector<16xi32> to vector<1x16xi32>
    tpu.vector_store %arg8[%swap3A_263, %swap3A_264], %swap3A_267 {strides = array<i32>} : memref<5x128xi32, #tpu.memory_space<vmem>>, vector<1x16xi32>,
    %get3A_268 = arith.constant 0 : i32
    %get3A_269 = arith.index_cast %get3A_268 : i32 to index
    %get3A_270 = arith.constant 80 : index
    %get3A_271 = tpu.vector_load %arg7[%get3A_269, %get3A_270] {strides = array<i32>} : memref<5x128xi32, #tpu.memory_space<vmem>>, vector<1x16xi32>,
    %get3A_272 = vector.shape_cast %get3A_271 : vector<1x16xi32> to vector<16xi32>
    %add3A_273 = vector.broadcast %mul3A_2 : i32 to vector<16xi32>
    %add3A_274 = arith.addi %get3A_272, %add3A_273 : vector<16xi32>
    %swap3A_275 = arith.constant 0 : i32
    %swap3A_276 = arith.index_cast %swap3A_275 : i32 to index
    %swap3A_277 = arith.constant 80 : index
    %swap3A_278 = tpu.vector_load %arg8[%swap3A_276, %swap3A_277] {strides = array<i32>} : memref<5x128xi32, #tpu.memory_space<vmem>>, vector<1x16xi32>,
    %swap3A_279 = vector.shape_cast %swap3A_278 : vector<1x16xi32> to vector<16xi32>
    %swap3A_280 = vector.shape_cast %add3A_274 : vector<16xi32> to vector<1x16xi32>
    tpu.vector_store %arg8[%swap3A_276, %swap3A_277], %swap3A_280 {strides = array<i32>} : memref<5x128xi32, #tpu.memory_space<vmem>>, vector<1x16xi32>,
    %get3A_281 = arith.constant 0 : i32
    %get3A_282 = arith.index_cast %get3A_281 : i32 to index
    %get3A_283 = arith.constant 96 : index
    %get3A_284 = tpu.vector_load %arg7[%get3A_282, %get3A_283] {strides = array<i32>} : memref<5x128xi32, #tpu.memory_space<vmem>>, vector<1x16xi32>,
    %get3A_285 = vector.shape_cast %get3A_284 : vector<1x16xi32> to vector<16xi32>
    %add3A_286 = vector.broadcast %mul3A_2 : i32 to vector<16xi32>
    %add3A_287 = arith.addi %get3A_285, %add3A_286 : vector<16xi32>
    %swap3A_288 = arith.constant 0 : i32
    %swap3A_289 = arith.index_cast %swap3A_288 : i32 to index
    %swap3A_290 = arith.constant 96 : index
    %swap3A_291 = tpu.vector_load %arg8[%swap3A_289, %swap3A_290] {strides = array<i32>} : memref<5x128xi32, #tpu.memory_space<vmem>>, vector<1x16xi32>,
    %swap3A_292 = vector.shape_cast %swap3A_291 : vector<1x16xi32> to vector<16xi32>
    %swap3A_293 = vector.shape_cast %add3A_287 : vector<16xi32> to vector<1x16xi32>
    tpu.vector_store %arg8[%swap3A_289, %swap3A_290], %swap3A_293 {strides = array<i32>} : memref<5x128xi32, #tpu.memory_space<vmem>>, vector<1x16xi32>,
    %get3A_294 = arith.constant 0 : i32
    %get3A_295 = arith.index_cast %get3A_294 : i32 to index
    %get3A_296 = arith.constant 112 : index
    %get3A_297 = tpu.vector_load %arg7[%get3A_295, %get3A_296] {strides = array<i32>} : memref<5x128xi32, #tpu.memory_space<vmem>>, vector<1x16xi32>,
    %get3A_298 = vector.shape_cast %get3A_297 : vector<1x16xi32> to vector<16xi32>
    %add3A_299 = vector.broadcast %mul3A_2 : i32 to vector<16xi32>
    %add3A_300 = arith.addi %get3A_298, %add3A_299 : vector<16xi32>
    %swap3A_301 = arith.constant 0 : i32
    %swap3A_302 = arith.index_cast %swap3A_301 : i32 to index
    %swap3A_303 = arith.constant 112 : index
    %swap3A_304 = tpu.vector_load %arg8[%swap3A_302, %swap3A_303] {strides = array<i32>} : memref<5x128xi32, #tpu.memory_space<vmem>>, vector<1x16xi32>,
    %swap3A_305 = vector.shape_cast %swap3A_304 : vector<1x16xi32> to vector<16xi32>
    %swap3A_306 = vector.shape_cast %add3A_300 : vector<16xi32> to vector<1x16xi32>
    tpu.vector_store %arg8[%swap3A_302, %swap3A_303], %swap3A_306 {strides = array<i32>} : memref<5x128xi32, #tpu.memory_space<vmem>>, vector<1x16xi32>,
    %dma_start3A_307 = arith.constant 0 : i32
    %dma_start3A_308 = arith.constant 0 : i32
    %dma_start3A_309 = arith.constant 0 : i32
    %dma_start3A_310 = tpu.memref_slice %arg9[%dma_start3A_308, %dma_start3A_309] : memref<640x128xf32, #tpu.memory_space<vmem>> -> memref<128x128xf32, #tpu.memory_space<vmem>>
    %dma_start3A_311 = arith.constant 0 : i32
    %dma_start3A_312 = tpu.memref_slice %arg6[%dma_start3A_307, %dma_start3A_311] : memref<5x128xi32, #tpu.memory_space<vmem>> -> memref<1x128xi32, #tpu.memory_space<vmem>>
    %dma_start3A_313 = tpu.memref_squeeze %dma_start3A_312 : memref<1x128xi32, #tpu.memory_space<vmem>> -> memref<128xi32, #tpu.memory_space<vmem>>
    %dma_start3A_314 = arith.constant 0 : i32
    %dma_start3A_315 = arith.constant 0 : i32
    %dma_start3A_316 = tpu.memref_slice %arg4[%dma_start3A_314, %dma_start3A_315] : memref<100000x128xf32, #tpu.memory_space<hbm>> -> memref<100000x128xf32, #tpu.memory_space<hbm>>
    tpu.enqueue_indirect_dma source(%dma_start3A_316 : memref<100000x128xf32, #tpu.memory_space<hbm>>) target(%dma_start3A_310 : memref<128x128xf32, #tpu.memory_space<vmem>>) offsets(%dma_start3A_313 : memref<128xi32, #tpu.memory_space<vmem>>) semaphore(%arg12 : memref<!tpu.dma_semaphore, #tpu.memory_space<semaphore_mem>>)
    %get3A_317 = arith.constant 1 : i32
    %get3A_318 = arith.index_cast %get3A_317 : i32 to index
    %get3A_319 = arith.constant 0 : index
    %get3A_320 = tpu.vector_load %arg7[%get3A_318, %get3A_319] {strides = array<i32>} : memref<5x128xi32, #tpu.memory_space<vmem>>, vector<1x16xi32>,
    %get3A_321 = vector.shape_cast %get3A_320 : vector<1x16xi32> to vector<16xi32>
    %add3A_322 = vector.broadcast %mul3A_2 : i32 to vector<16xi32>
    %add3A_323 = arith.addi %get3A_321, %add3A_322 : vector<16xi32>
    %swap3A_324 = arith.constant 1 : i32
    %swap3A_325 = arith.index_cast %swap3A_324 : i32 to index
    %swap3A_326 = arith.constant 0 : index
    %swap3A_327 = tpu.vector_load %arg8[%swap3A_325, %swap3A_326] {strides = array<i32>} : memref<5x128xi32, #tpu.memory_space<vmem>>, vector<1x16xi32>,
    %swap3A_328 = vector.shape_cast %swap3A_327 : vector<1x16xi32> to vector<16xi32>
    %swap3A_329 = vector.shape_cast %add3A_323 : vector<16xi32> to vector<1x16xi32>
    tpu.vector_store %arg8[%swap3A_325, %swap3A_326], %swap3A_329 {strides = array<i32>} : memref<5x128xi32, #tpu.memory_space<vmem>>, vector<1x16xi32>,
    %get3A_330 = arith.constant 1 : i32
    %get3A_331 = arith.index_cast %get3A_330 : i32 to index
    %get3A_332 = arith.constant 16 : index
    %get3A_333 = tpu.vector_load %arg7[%get3A_331, %get3A_332] {strides = array<i32>} : memref<5x128xi32, #tpu.memory_space<vmem>>, vector<1x16xi32>,
    %get3A_334 = vector.shape_cast %get3A_333 : vector<1x16xi32> to vector<16xi32>
    %add3A_335 = vector.broadcast %mul3A_2 : i32 to vector<16xi32>
    %add3A_336 = arith.addi %get3A_334, %add3A_335 : vector<16xi32>
    %swap3A_337 = arith.constant 1 : i32
    %swap3A_338 = arith.index_cast %swap3A_337 : i32 to index
    %swap3A_339 = arith.constant 16 : index
    %swap3A_340 = tpu.vector_load %arg8[%swap3A_338, %swap3A_339] {strides = array<i32>} : memref<5x128xi32, #tpu.memory_space<vmem>>, vector<1x16xi32>,
    %swap3A_341 = vector.shape_cast %swap3A_340 : vector<1x16xi32> to vector<16xi32>
    %swap3A_342 = vector.shape_cast %add3A_336 : vector<16xi32> to vector<1x16xi32>
    tpu.vector_store %arg8[%swap3A_338, %swap3A_339], %swap3A_342 {strides = array<i32>} : memref<5x128xi32, #tpu.memory_space<vmem>>, vector<1x16xi32>,
    %get3A_343 = arith.constant 1 : i32
    %get3A_344 = arith.index_cast %get3A_343 : i32 to index
    %get3A_345 = arith.constant 32 : index
    %get3A_346 = tpu.vector_load %arg7[%get3A_344, %get3A_345] {strides = array<i32>} : memref<5x128xi32, #tpu.memory_space<vmem>>, vector<1x16xi32>,
    %get3A_347 = vector.shape_cast %get3A_346 : vector<1x16xi32> to vector<16xi32>
    %add3A_348 = vector.broadcast %mul3A_2 : i32 to vector<16xi32>
    %add3A_349 = arith.addi %get3A_347, %add3A_348 : vector<16xi32>
    %swap3A_350 = arith.constant 1 : i32
    %swap3A_351 = arith.index_cast %swap3A_350 : i32 to index
    %swap3A_352 = arith.constant 32 : index
    %swap3A_353 = tpu.vector_load %arg8[%swap3A_351, %swap3A_352] {strides = array<i32>} : memref<5x128xi32, #tpu.memory_space<vmem>>, vector<1x16xi32>,
    %swap3A_354 = vector.shape_cast %swap3A_353 : vector<1x16xi32> to vector<16xi32>
    %swap3A_355 = vector.shape_cast %add3A_349 : vector<16xi32> to vector<1x16xi32>
    tpu.vector_store %arg8[%swap3A_351, %swap3A_352], %swap3A_355 {strides = array<i32>} : memref<5x128xi32, #tpu.memory_space<vmem>>, vector<1x16xi32>,
    %get3A_356 = arith.constant 1 : i32
    %get3A_357 = arith.index_cast %get3A_356 : i32 to index
    %get3A_358 = arith.constant 48 : index
    %get3A_359 = tpu.vector_load %arg7[%get3A_357, %get3A_358] {strides = array<i32>} : memref<5x128xi32, #tpu.memory_space<vmem>>, vector<1x16xi32>,
    %get3A_360 = vector.shape_cast %get3A_359 : vector<1x16xi32> to vector<16xi32>
    %add3A_361 = vector.broadcast %mul3A_2 : i32 to vector<16xi32>
    %add3A_362 = arith.addi %get3A_360, %add3A_361 : vector<16xi32>
    %swap3A_363 = arith.constant 1 : i32
    %swap3A_364 = arith.index_cast %swap3A_363 : i32 to index
    %swap3A_365 = arith.constant 48 : index
    %swap3A_366 = tpu.vector_load %arg8[%swap3A_364, %swap3A_365] {strides = array<i32>} : memref<5x128xi32, #tpu.memory_space<vmem>>, vector<1x16xi32>,
    %swap3A_367 = vector.shape_cast %swap3A_366 : vector<1x16xi32> to vector<16xi32>
    %swap3A_368 = vector.shape_cast %add3A_362 : vector<16xi32> to vector<1x16xi32>
    tpu.vector_store %arg8[%swap3A_364, %swap3A_365], %swap3A_368 {strides = array<i32>} : memref<5x128xi32, #tpu.memory_space<vmem>>, vector<1x16xi32>,
    %get3A_369 = arith.constant 1 : i32
    %get3A_370 = arith.index_cast %get3A_369 : i32 to index
    %get3A_371 = arith.constant 64 : index
    %get3A_372 = tpu.vector_load %arg7[%get3A_370, %get3A_371] {strides = array<i32>} : memref<5x128xi32, #tpu.memory_space<vmem>>, vector<1x16xi32>,
    %get3A_373 = vector.shape_cast %get3A_372 : vector<1x16xi32> to vector<16xi32>
    %add3A_374 = vector.broadcast %mul3A_2 : i32 to vector<16xi32>
    %add3A_375 = arith.addi %get3A_373, %add3A_374 : vector<16xi32>
    %swap3A_376 = arith.constant 1 : i32
    %swap3A_377 = arith.index_cast %swap3A_376 : i32 to index
    %swap3A_378 = arith.constant 64 : index
    %swap3A_379 = tpu.vector_load %arg8[%swap3A_377, %swap3A_378] {strides = array<i32>} : memref<5x128xi32, #tpu.memory_space<vmem>>, vector<1x16xi32>,
    %swap3A_380 = vector.shape_cast %swap3A_379 : vector<1x16xi32> to vector<16xi32>
    %swap3A_381 = vector.shape_cast %add3A_375 : vector<16xi32> to vector<1x16xi32>
    tpu.vector_store %arg8[%swap3A_377, %swap3A_378], %swap3A_381 {strides = array<i32>} : memref<5x128xi32, #tpu.memory_space<vmem>>, vector<1x16xi32>,
    %get3A_382 = arith.constant 1 : i32
    %get3A_383 = arith.index_cast %get3A_382 : i32 to index
    %get3A_384 = arith.constant 80 : index
    %get3A_385 = tpu.vector_load %arg7[%get3A_383, %get3A_384] {strides = array<i32>} : memref<5x128xi32, #tpu.memory_space<vmem>>, vector<1x16xi32>,
    %get3A_386 = vector.shape_cast %get3A_385 : vector<1x16xi32> to vector<16xi32>
    %add3A_387 = vector.broadcast %mul3A_2 : i32 to vector<16xi32>
    %add3A_388 = arith.addi %get3A_386, %add3A_387 : vector<16xi32>
    %swap3A_389 = arith.constant 1 : i32
    %swap3A_390 = arith.index_cast %swap3A_389 : i32 to index
    %swap3A_391 = arith.constant 80 : index
    %swap3A_392 = tpu.vector_load %arg8[%swap3A_390, %swap3A_391] {strides = array<i32>} : memref<5x128xi32, #tpu.memory_space<vmem>>, vector<1x16xi32>,
    %swap3A_393 = vector.shape_cast %swap3A_392 : vector<1x16xi32> to vector<16xi32>
    %swap3A_394 = vector.shape_cast %add3A_388 : vector<16xi32> to vector<1x16xi32>
    tpu.vector_store %arg8[%swap3A_390, %swap3A_391], %swap3A_394 {strides = array<i32>} : memref<5x128xi32, #tpu.memory_space<vmem>>, vector<1x16xi32>,
    %get3A_395 = arith.constant 1 : i32
    %get3A_396 = arith.index_cast %get3A_395 : i32 to index
    %get3A_397 = arith.constant 96 : index
    %get3A_398 = tpu.vector_load %arg7[%get3A_396, %get3A_397] {strides = array<i32>} : memref<5x128xi32, #tpu.memory_space<vmem>>, vector<1x16xi32>,
    %get3A_399 = vector.shape_cast %get3A_398 : vector<1x16xi32> to vector<16xi32>
    %add3A_400 = vector.broadcast %mul3A_2 : i32 to vector<16xi32>
    %add3A_401 = arith.addi %get3A_399, %add3A_400 : vector<16xi32>
    %swap3A_402 = arith.constant 1 : i32
    %swap3A_403 = arith.index_cast %swap3A_402 : i32 to index
    %swap3A_404 = arith.constant 96 : index
    %swap3A_405 = tpu.vector_load %arg8[%swap3A_403, %swap3A_404] {strides = array<i32>} : memref<5x128xi32, #tpu.memory_space<vmem>>, vector<1x16xi32>,
    %swap3A_406 = vector.shape_cast %swap3A_405 : vector<1x16xi32> to vector<16xi32>
    %swap3A_407 = vector.shape_cast %add3A_401 : vector<16xi32> to vector<1x16xi32>
    tpu.vector_store %arg8[%swap3A_403, %swap3A_404], %swap3A_407 {strides = array<i32>} : memref<5x128xi32, #tpu.memory_space<vmem>>, vector<1x16xi32>,
    %get3A_408 = arith.constant 1 : i32
    %get3A_409 = arith.index_cast %get3A_408 : i32 to index
    %get3A_410 = arith.constant 112 : index
    %get3A_411 = tpu.vector_load %arg7[%get3A_409, %get3A_410] {strides = array<i32>} : memref<5x128xi32, #tpu.memory_space<vmem>>, vector<1x16xi32>,
    %get3A_412 = vector.shape_cast %get3A_411 : vector<1x16xi32> to vector<16xi32>
    %add3A_413 = vector.broadcast %mul3A_2 : i32 to vector<16xi32>
    %add3A_414 = arith.addi %get3A_412, %add3A_413 : vector<16xi32>
    %swap3A_415 = arith.constant 1 : i32
    %swap3A_416 = arith.index_cast %swap3A_415 : i32 to index
    %swap3A_417 = arith.constant 112 : index
    %swap3A_418 = tpu.vector_load %arg8[%swap3A_416, %swap3A_417] {strides = array<i32>} : memref<5x128xi32, #tpu.memory_space<vmem>>, vector<1x16xi32>,
    %swap3A_419 = vector.shape_cast %swap3A_418 : vector<1x16xi32> to vector<16xi32>
    %swap3A_420 = vector.shape_cast %add3A_414 : vector<16xi32> to vector<1x16xi32>
    tpu.vector_store %arg8[%swap3A_416, %swap3A_417], %swap3A_420 {strides = array<i32>} : memref<5x128xi32, #tpu.memory_space<vmem>>, vector<1x16xi32>,
    %dma_start3A_421 = arith.constant 1 : i32
    %dma_start3A_422 = arith.constant 128 : i32
    %dma_start3A_423 = arith.constant 0 : i32
    %dma_start3A_424 = tpu.memref_slice %arg9[%dma_start3A_422, %dma_start3A_423] : memref<640x128xf32, #tpu.memory_space<vmem>> -> memref<128x128xf32, #tpu.memory_space<vmem>>
    %dma_start3A_425 = arith.constant 0 : i32
    %dma_start3A_426 = tpu.memref_slice %arg6[%dma_start3A_421, %dma_start3A_425] : memref<5x128xi32, #tpu.memory_space<vmem>> -> memref<1x128xi32, #tpu.memory_space<vmem>>
    %dma_start3A_427 = tpu.memref_squeeze %dma_start3A_426 : memref<1x128xi32, #tpu.memory_space<vmem>> -> memref<128xi32, #tpu.memory_space<vmem>>
    %dma_start3A_428 = arith.constant 0 : i32
    %dma_start3A_429 = arith.constant 0 : i32
    %dma_start3A_430 = tpu.memref_slice %arg4[%dma_start3A_428, %dma_start3A_429] : memref<100000x128xf32, #tpu.memory_space<hbm>> -> memref<100000x128xf32, #tpu.memory_space<hbm>>
    tpu.enqueue_indirect_dma source(%dma_start3A_430 : memref<100000x128xf32, #tpu.memory_space<hbm>>) target(%dma_start3A_424 : memref<128x128xf32, #tpu.memory_space<vmem>>) offsets(%dma_start3A_427 : memref<128xi32, #tpu.memory_space<vmem>>) semaphore(%arg12 : memref<!tpu.dma_semaphore, #tpu.memory_space<semaphore_mem>>)
    %get3A_431 = arith.constant 2 : i32
    %get3A_432 = arith.index_cast %get3A_431 : i32 to index
    %get3A_433 = arith.constant 0 : index
    %get3A_434 = tpu.vector_load %arg7[%get3A_432, %get3A_433] {strides = array<i32>} : memref<5x128xi32, #tpu.memory_space<vmem>>, vector<1x16xi32>,
    %get3A_435 = vector.shape_cast %get3A_434 : vector<1x16xi32> to vector<16xi32>
    %add3A_436 = vector.broadcast %mul3A_2 : i32 to vector<16xi32>
    %add3A_437 = arith.addi %get3A_435, %add3A_436 : vector<16xi32>
    %swap3A_438 = arith.constant 2 : i32
    %swap3A_439 = arith.index_cast %swap3A_438 : i32 to index
    %swap3A_440 = arith.constant 0 : index
    %swap3A_441 = tpu.vector_load %arg8[%swap3A_439, %swap3A_440] {strides = array<i32>} : memref<5x128xi32, #tpu.memory_space<vmem>>, vector<1x16xi32>,
    %swap3A_442 = vector.shape_cast %swap3A_441 : vector<1x16xi32> to vector<16xi32>
    %swap3A_443 = vector.shape_cast %add3A_437 : vector<16xi32> to vector<1x16xi32>
    tpu.vector_store %arg8[%swap3A_439, %swap3A_440], %swap3A_443 {strides = array<i32>} : memref<5x128xi32, #tpu.memory_space<vmem>>, vector<1x16xi32>,
    %get3A_444 = arith.constant 2 : i32
    %get3A_445 = arith.index_cast %get3A_444 : i32 to index
    %get3A_446 = arith.constant 16 : index
    %get3A_447 = tpu.vector_load %arg7[%get3A_445, %get3A_446] {strides = array<i32>} : memref<5x128xi32, #tpu.memory_space<vmem>>, vector<1x16xi32>,
    %get3A_448 = vector.shape_cast %get3A_447 : vector<1x16xi32> to vector<16xi32>
    %add3A_449 = vector.broadcast %mul3A_2 : i32 to vector<16xi32>
    %add3A_450 = arith.addi %get3A_448, %add3A_449 : vector<16xi32>
    %swap3A_451 = arith.constant 2 : i32
    %swap3A_452 = arith.index_cast %swap3A_451 : i32 to index
    %swap3A_453 = arith.constant 16 : index
    %swap3A_454 = tpu.vector_load %arg8[%swap3A_452, %swap3A_453] {strides = array<i32>} : memref<5x128xi32, #tpu.memory_space<vmem>>, vector<1x16xi32>,
    %swap3A_455 = vector.shape_cast %swap3A_454 : vector<1x16xi32> to vector<16xi32>
    %swap3A_456 = vector.shape_cast %add3A_450 : vector<16xi32> to vector<1x16xi32>
    tpu.vector_store %arg8[%swap3A_452, %swap3A_453], %swap3A_456 {strides = array<i32>} : memref<5x128xi32, #tpu.memory_space<vmem>>, vector<1x16xi32>,
    %get3A_457 = arith.constant 2 : i32
    %get3A_458 = arith.index_cast %get3A_457 : i32 to index
    %get3A_459 = arith.constant 32 : index
    %get3A_460 = tpu.vector_load %arg7[%get3A_458, %get3A_459] {strides = array<i32>} : memref<5x128xi32, #tpu.memory_space<vmem>>, vector<1x16xi32>,
    %get3A_461 = vector.shape_cast %get3A_460 : vector<1x16xi32> to vector<16xi32>
    %add3A_462 = vector.broadcast %mul3A_2 : i32 to vector<16xi32>
    %add3A_463 = arith.addi %get3A_461, %add3A_462 : vector<16xi32>
    %swap3A_464 = arith.constant 2 : i32
    %swap3A_465 = arith.index_cast %swap3A_464 : i32 to index
    %swap3A_466 = arith.constant 32 : index
    %swap3A_467 = tpu.vector_load %arg8[%swap3A_465, %swap3A_466] {strides = array<i32>} : memref<5x128xi32, #tpu.memory_space<vmem>>, vector<1x16xi32>,
    %swap3A_468 = vector.shape_cast %swap3A_467 : vector<1x16xi32> to vector<16xi32>
    %swap3A_469 = vector.shape_cast %add3A_463 : vector<16xi32> to vector<1x16xi32>
    tpu.vector_store %arg8[%swap3A_465, %swap3A_466], %swap3A_469 {strides = array<i32>} : memref<5x128xi32, #tpu.memory_space<vmem>>, vector<1x16xi32>,
    %get3A_470 = arith.constant 2 : i32
    %get3A_471 = arith.index_cast %get3A_470 : i32 to index
    %get3A_472 = arith.constant 48 : index
    %get3A_473 = tpu.vector_load %arg7[%get3A_471, %get3A_472] {strides = array<i32>} : memref<5x128xi32, #tpu.memory_space<vmem>>, vector<1x16xi32>,
    %get3A_474 = vector.shape_cast %get3A_473 : vector<1x16xi32> to vector<16xi32>
    %add3A_475 = vector.broadcast %mul3A_2 : i32 to vector<16xi32>
    %add3A_476 = arith.addi %get3A_474, %add3A_475 : vector<16xi32>
    %swap3A_477 = arith.constant 2 : i32
    %swap3A_478 = arith.index_cast %swap3A_477 : i32 to index
    %swap3A_479 = arith.constant 48 : index
    %swap3A_480 = tpu.vector_load %arg8[%swap3A_478, %swap3A_479] {strides = array<i32>} : memref<5x128xi32, #tpu.memory_space<vmem>>, vector<1x16xi32>,
    %swap3A_481 = vector.shape_cast %swap3A_480 : vector<1x16xi32> to vector<16xi32>
    %swap3A_482 = vector.shape_cast %add3A_476 : vector<16xi32> to vector<1x16xi32>
    tpu.vector_store %arg8[%swap3A_478, %swap3A_479], %swap3A_482 {strides = array<i32>} : memref<5x128xi32, #tpu.memory_space<vmem>>, vector<1x16xi32>,
    %get3A_483 = arith.constant 2 : i32
    %get3A_484 = arith.index_cast %get3A_483 : i32 to index
    %get3A_485 = arith.constant 64 : index
    %get3A_486 = tpu.vector_load %arg7[%get3A_484, %get3A_485] {strides = array<i32>} : memref<5x128xi32, #tpu.memory_space<vmem>>, vector<1x16xi32>,
    %get3A_487 = vector.shape_cast %get3A_486 : vector<1x16xi32> to vector<16xi32>
    %add3A_488 = vector.broadcast %mul3A_2 : i32 to vector<16xi32>
    %add3A_489 = arith.addi %get3A_487, %add3A_488 : vector<16xi32>
    %swap3A_490 = arith.constant 2 : i32
    %swap3A_491 = arith.index_cast %swap3A_490 : i32 to index
    %swap3A_492 = arith.constant 64 : index
    %swap3A_493 = tpu.vector_load %arg8[%swap3A_491, %swap3A_492] {strides = array<i32>} : memref<5x128xi32, #tpu.memory_space<vmem>>, vector<1x16xi32>,
    %swap3A_494 = vector.shape_cast %swap3A_493 : vector<1x16xi32> to vector<16xi32>
    %swap3A_495 = vector.shape_cast %add3A_489 : vector<16xi32> to vector<1x16xi32>
    tpu.vector_store %arg8[%swap3A_491, %swap3A_492], %swap3A_495 {strides = array<i32>} : memref<5x128xi32, #tpu.memory_space<vmem>>, vector<1x16xi32>,
    %get3A_496 = arith.constant 2 : i32
    %get3A_497 = arith.index_cast %get3A_496 : i32 to index
    %get3A_498 = arith.constant 80 : index
    %get3A_499 = tpu.vector_load %arg7[%get3A_497, %get3A_498] {strides = array<i32>} : memref<5x128xi32, #tpu.memory_space<vmem>>, vector<1x16xi32>,
    %get3A_500 = vector.shape_cast %get3A_499 : vector<1x16xi32> to vector<16xi32>
    %add3A_501 = vector.broadcast %mul3A_2 : i32 to vector<16xi32>
    %add3A_502 = arith.addi %get3A_500, %add3A_501 : vector<16xi32>
    %swap3A_503 = arith.constant 2 : i32
    %swap3A_504 = arith.index_cast %swap3A_503 : i32 to index
    %swap3A_505 = arith.constant 80 : index
    %swap3A_506 = tpu.vector_load %arg8[%swap3A_504, %swap3A_505] {strides = array<i32>} : memref<5x128xi32, #tpu.memory_space<vmem>>, vector<1x16xi32>,
    %swap3A_507 = vector.shape_cast %swap3A_506 : vector<1x16xi32> to vector<16xi32>
    %swap3A_508 = vector.shape_cast %add3A_502 : vector<16xi32> to vector<1x16xi32>
    tpu.vector_store %arg8[%swap3A_504, %swap3A_505], %swap3A_508 {strides = array<i32>} : memref<5x128xi32, #tpu.memory_space<vmem>>, vector<1x16xi32>,
    %get3A_509 = arith.constant 2 : i32
    %get3A_510 = arith.index_cast %get3A_509 : i32 to index
    %get3A_511 = arith.constant 96 : index
    %get3A_512 = tpu.vector_load %arg7[%get3A_510, %get3A_511] {strides = array<i32>} : memref<5x128xi32, #tpu.memory_space<vmem>>, vector<1x16xi32>,
    %get3A_513 = vector.shape_cast %get3A_512 : vector<1x16xi32> to vector<16xi32>
    %add3A_514 = vector.broadcast %mul3A_2 : i32 to vector<16xi32>
    %add3A_515 = arith.addi %get3A_513, %add3A_514 : vector<16xi32>
    %swap3A_516 = arith.constant 2 : i32
    %swap3A_517 = arith.index_cast %swap3A_516 : i32 to index
    %swap3A_518 = arith.constant 96 : index
    %swap3A_519 = tpu.vector_load %arg8[%swap3A_517, %swap3A_518] {strides = array<i32>} : memref<5x128xi32, #tpu.memory_space<vmem>>, vector<1x16xi32>,
    %swap3A_520 = vector.shape_cast %swap3A_519 : vector<1x16xi32> to vector<16xi32>
    %swap3A_521 = vector.shape_cast %add3A_515 : vector<16xi32> to vector<1x16xi32>
    tpu.vector_store %arg8[%swap3A_517, %swap3A_518], %swap3A_521 {strides = array<i32>} : memref<5x128xi32, #tpu.memory_space<vmem>>, vector<1x16xi32>,
    %get3A_522 = arith.constant 2 : i32
    %get3A_523 = arith.index_cast %get3A_522 : i32 to index
    %get3A_524 = arith.constant 112 : index
    %get3A_525 = tpu.vector_load %arg7[%get3A_523, %get3A_524] {strides = array<i32>} : memref<5x128xi32, #tpu.memory_space<vmem>>, vector<1x16xi32>,
    %get3A_526 = vector.shape_cast %get3A_525 : vector<1x16xi32> to vector<16xi32>
    %add3A_527 = vector.broadcast %mul3A_2 : i32 to vector<16xi32>
    %add3A_528 = arith.addi %get3A_526, %add3A_527 : vector<16xi32>
    %swap3A_529 = arith.constant 2 : i32
    %swap3A_530 = arith.index_cast %swap3A_529 : i32 to index
    %swap3A_531 = arith.constant 112 : index
    %swap3A_532 = tpu.vector_load %arg8[%swap3A_530, %swap3A_531] {strides = array<i32>} : memref<5x128xi32, #tpu.memory_space<vmem>>, vector<1x16xi32>,
    %swap3A_533 = vector.shape_cast %swap3A_532 : vector<1x16xi32> to vector<16xi32>
    %swap3A_534 = vector.shape_cast %add3A_528 : vector<16xi32> to vector<1x16xi32>
    tpu.vector_store %arg8[%swap3A_530, %swap3A_531], %swap3A_534 {strides = array<i32>} : memref<5x128xi32, #tpu.memory_space<vmem>>, vector<1x16xi32>,
    %dma_start3A_535 = arith.constant 2 : i32
    %dma_start3A_536 = arith.constant 256 : i32
    %dma_start3A_537 = arith.constant 0 : i32
    %dma_start3A_538 = tpu.memref_slice %arg9[%dma_start3A_536, %dma_start3A_537] : memref<640x128xf32, #tpu.memory_space<vmem>> -> memref<128x128xf32, #tpu.memory_space<vmem>>
    %dma_start3A_539 = arith.constant 0 : i32
    %dma_start3A_540 = tpu.memref_slice %arg6[%dma_start3A_535, %dma_start3A_539] : memref<5x128xi32, #tpu.memory_space<vmem>> -> memref<1x128xi32, #tpu.memory_space<vmem>>
    %dma_start3A_541 = tpu.memref_squeeze %dma_start3A_540 : memref<1x128xi32, #tpu.memory_space<vmem>> -> memref<128xi32, #tpu.memory_space<vmem>>
    %dma_start3A_542 = arith.constant 0 : i32
    %dma_start3A_543 = arith.constant 0 : i32
    %dma_start3A_544 = tpu.memref_slice %arg4[%dma_start3A_542, %dma_start3A_543] : memref<100000x128xf32, #tpu.memory_space<hbm>> -> memref<100000x128xf32, #tpu.memory_space<hbm>>
    tpu.enqueue_indirect_dma source(%dma_start3A_544 : memref<100000x128xf32, #tpu.memory_space<hbm>>) target(%dma_start3A_538 : memref<128x128xf32, #tpu.memory_space<vmem>>) offsets(%dma_start3A_541 : memref<128xi32, #tpu.memory_space<vmem>>) semaphore(%arg12 : memref<!tpu.dma_semaphore, #tpu.memory_space<semaphore_mem>>)
    %get3A_545 = arith.constant 3 : i32
    %get3A_546 = arith.index_cast %get3A_545 : i32 to index
    %get3A_547 = arith.constant 0 : index
    %get3A_548 = tpu.vector_load %arg7[%get3A_546, %get3A_547] {strides = array<i32>} : memref<5x128xi32, #tpu.memory_space<vmem>>, vector<1x16xi32>,
    %get3A_549 = vector.shape_cast %get3A_548 : vector<1x16xi32> to vector<16xi32>
    %add3A_550 = vector.broadcast %mul3A_2 : i32 to vector<16xi32>
    %add3A_551 = arith.addi %get3A_549, %add3A_550 : vector<16xi32>
    %swap3A_552 = arith.constant 3 : i32
    %swap3A_553 = arith.index_cast %swap3A_552 : i32 to index
    %swap3A_554 = arith.constant 0 : index
    %swap3A_555 = tpu.vector_load %arg8[%swap3A_553, %swap3A_554] {strides = array<i32>} : memref<5x128xi32, #tpu.memory_space<vmem>>, vector<1x16xi32>,
    %swap3A_556 = vector.shape_cast %swap3A_555 : vector<1x16xi32> to vector<16xi32>
    %swap3A_557 = vector.shape_cast %add3A_551 : vector<16xi32> to vector<1x16xi32>
    tpu.vector_store %arg8[%swap3A_553, %swap3A_554], %swap3A_557 {strides = array<i32>} : memref<5x128xi32, #tpu.memory_space<vmem>>, vector<1x16xi32>,
    %get3A_558 = arith.constant 3 : i32
    %get3A_559 = arith.index_cast %get3A_558 : i32 to index
    %get3A_560 = arith.constant 16 : index
    %get3A_561 = tpu.vector_load %arg7[%get3A_559, %get3A_560] {strides = array<i32>} : memref<5x128xi32, #tpu.memory_space<vmem>>, vector<1x16xi32>,
    %get3A_562 = vector.shape_cast %get3A_561 : vector<1x16xi32> to vector<16xi32>
    %add3A_563 = vector.broadcast %mul3A_2 : i32 to vector<16xi32>
    %add3A_564 = arith.addi %get3A_562, %add3A_563 : vector<16xi32>
    %swap3A_565 = arith.constant 3 : i32
    %swap3A_566 = arith.index_cast %swap3A_565 : i32 to index
    %swap3A_567 = arith.constant 16 : index
    %swap3A_568 = tpu.vector_load %arg8[%swap3A_566, %swap3A_567] {strides = array<i32>} : memref<5x128xi32, #tpu.memory_space<vmem>>, vector<1x16xi32>,
    %swap3A_569 = vector.shape_cast %swap3A_568 : vector<1x16xi32> to vector<16xi32>
    %swap3A_570 = vector.shape_cast %add3A_564 : vector<16xi32> to vector<1x16xi32>
    tpu.vector_store %arg8[%swap3A_566, %swap3A_567], %swap3A_570 {strides = array<i32>} : memref<5x128xi32, #tpu.memory_space<vmem>>, vector<1x16xi32>,
    %get3A_571 = arith.constant 3 : i32
    %get3A_572 = arith.index_cast %get3A_571 : i32 to index
    %get3A_573 = arith.constant 32 : index
    %get3A_574 = tpu.vector_load %arg7[%get3A_572, %get3A_573] {strides = array<i32>} : memref<5x128xi32, #tpu.memory_space<vmem>>, vector<1x16xi32>,
    %get3A_575 = vector.shape_cast %get3A_574 : vector<1x16xi32> to vector<16xi32>
    %add3A_576 = vector.broadcast %mul3A_2 : i32 to vector<16xi32>
    %add3A_577 = arith.addi %get3A_575, %add3A_576 : vector<16xi32>
    %swap3A_578 = arith.constant 3 : i32
    %swap3A_579 = arith.index_cast %swap3A_578 : i32 to index
    %swap3A_580 = arith.constant 32 : index
    %swap3A_581 = tpu.vector_load %arg8[%swap3A_579, %swap3A_580] {strides = array<i32>} : memref<5x128xi32, #tpu.memory_space<vmem>>, vector<1x16xi32>,
    %swap3A_582 = vector.shape_cast %swap3A_581 : vector<1x16xi32> to vector<16xi32>
    %swap3A_583 = vector.shape_cast %add3A_577 : vector<16xi32> to vector<1x16xi32>
    tpu.vector_store %arg8[%swap3A_579, %swap3A_580], %swap3A_583 {strides = array<i32>} : memref<5x128xi32, #tpu.memory_space<vmem>>, vector<1x16xi32>,
    %get3A_584 = arith.constant 3 : i32
    %get3A_585 = arith.index_cast %get3A_584 : i32 to index
    %get3A_586 = arith.constant 48 : index
    %get3A_587 = tpu.vector_load %arg7[%get3A_585, %get3A_586] {strides = array<i32>} : memref<5x128xi32, #tpu.memory_space<vmem>>, vector<1x16xi32>,
    %get3A_588 = vector.shape_cast %get3A_587 : vector<1x16xi32> to vector<16xi32>
    %add3A_589 = vector.broadcast %mul3A_2 : i32 to vector<16xi32>
    %add3A_590 = arith.addi %get3A_588, %add3A_589 : vector<16xi32>
    %swap3A_591 = arith.constant 3 : i32
    %swap3A_592 = arith.index_cast %swap3A_591 : i32 to index
    %swap3A_593 = arith.constant 48 : index
    %swap3A_594 = tpu.vector_load %arg8[%swap3A_592, %swap3A_593] {strides = array<i32>} : memref<5x128xi32, #tpu.memory_space<vmem>>, vector<1x16xi32>,
    %swap3A_595 = vector.shape_cast %swap3A_594 : vector<1x16xi32> to vector<16xi32>
    %swap3A_596 = vector.shape_cast %add3A_590 : vector<16xi32> to vector<1x16xi32>
    tpu.vector_store %arg8[%swap3A_592, %swap3A_593], %swap3A_596 {strides = array<i32>} : memref<5x128xi32, #tpu.memory_space<vmem>>, vector<1x16xi32>,
    %get3A_597 = arith.constant 3 : i32
    %get3A_598 = arith.index_cast %get3A_597 : i32 to index
    %get3A_599 = arith.constant 64 : index
    %get3A_600 = tpu.vector_load %arg7[%get3A_598, %get3A_599] {strides = array<i32>} : memref<5x128xi32, #tpu.memory_space<vmem>>, vector<1x16xi32>,
    %get3A_601 = vector.shape_cast %get3A_600 : vector<1x16xi32> to vector<16xi32>
    %add3A_602 = vector.broadcast %mul3A_2 : i32 to vector<16xi32>
    %add3A_603 = arith.addi %get3A_601, %add3A_602 : vector<16xi32>
    %swap3A_604 = arith.constant 3 : i32
    %swap3A_605 = arith.index_cast %swap3A_604 : i32 to index
    %swap3A_606 = arith.constant 64 : index
    %swap3A_607 = tpu.vector_load %arg8[%swap3A_605, %swap3A_606] {strides = array<i32>} : memref<5x128xi32, #tpu.memory_space<vmem>>, vector<1x16xi32>,
    %swap3A_608 = vector.shape_cast %swap3A_607 : vector<1x16xi32> to vector<16xi32>
    %swap3A_609 = vector.shape_cast %add3A_603 : vector<16xi32> to vector<1x16xi32>
    tpu.vector_store %arg8[%swap3A_605, %swap3A_606], %swap3A_609 {strides = array<i32>} : memref<5x128xi32, #tpu.memory_space<vmem>>, vector<1x16xi32>,
    %get3A_610 = arith.constant 3 : i32
    %get3A_611 = arith.index_cast %get3A_610 : i32 to index
    %get3A_612 = arith.constant 80 : index
    %get3A_613 = tpu.vector_load %arg7[%get3A_611, %get3A_612] {strides = array<i32>} : memref<5x128xi32, #tpu.memory_space<vmem>>, vector<1x16xi32>,
    %get3A_614 = vector.shape_cast %get3A_613 : vector<1x16xi32> to vector<16xi32>
    %add3A_615 = vector.broadcast %mul3A_2 : i32 to vector<16xi32>
    %add3A_616 = arith.addi %get3A_614, %add3A_615 : vector<16xi32>
    %swap3A_617 = arith.constant 3 : i32
    %swap3A_618 = arith.index_cast %swap3A_617 : i32 to index
    %swap3A_619 = arith.constant 80 : index
    %swap3A_620 = tpu.vector_load %arg8[%swap3A_618, %swap3A_619] {strides = array<i32>} : memref<5x128xi32, #tpu.memory_space<vmem>>, vector<1x16xi32>,
    %swap3A_621 = vector.shape_cast %swap3A_620 : vector<1x16xi32> to vector<16xi32>
    %swap3A_622 = vector.shape_cast %add3A_616 : vector<16xi32> to vector<1x16xi32>
    tpu.vector_store %arg8[%swap3A_618, %swap3A_619], %swap3A_622 {strides = array<i32>} : memref<5x128xi32, #tpu.memory_space<vmem>>, vector<1x16xi32>,
    %get3A_623 = arith.constant 3 : i32
    %get3A_624 = arith.index_cast %get3A_623 : i32 to index
    %get3A_625 = arith.constant 96 : index
    %get3A_626 = tpu.vector_load %arg7[%get3A_624, %get3A_625] {strides = array<i32>} : memref<5x128xi32, #tpu.memory_space<vmem>>, vector<1x16xi32>,
    %get3A_627 = vector.shape_cast %get3A_626 : vector<1x16xi32> to vector<16xi32>
    %add3A_628 = vector.broadcast %mul3A_2 : i32 to vector<16xi32>
    %add3A_629 = arith.addi %get3A_627, %add3A_628 : vector<16xi32>
    %swap3A_630 = arith.constant 3 : i32
    %swap3A_631 = arith.index_cast %swap3A_630 : i32 to index
    %swap3A_632 = arith.constant 96 : index
    %swap3A_633 = tpu.vector_load %arg8[%swap3A_631, %swap3A_632] {strides = array<i32>} : memref<5x128xi32, #tpu.memory_space<vmem>>, vector<1x16xi32>,
    %swap3A_634 = vector.shape_cast %swap3A_633 : vector<1x16xi32> to vector<16xi32>
    %swap3A_635 = vector.shape_cast %add3A_629 : vector<16xi32> to vector<1x16xi32>
    tpu.vector_store %arg8[%swap3A_631, %swap3A_632], %swap3A_635 {strides = array<i32>} : memref<5x128xi32, #tpu.memory_space<vmem>>, vector<1x16xi32>,
    %get3A_636 = arith.constant 3 : i32
    %get3A_637 = arith.index_cast %get3A_636 : i32 to index
    %get3A_638 = arith.constant 112 : index
    %get3A_639 = tpu.vector_load %arg7[%get3A_637, %get3A_638] {strides = array<i32>} : memref<5x128xi32, #tpu.memory_space<vmem>>, vector<1x16xi32>,
    %get3A_640 = vector.shape_cast %get3A_639 : vector<1x16xi32> to vector<16xi32>
    %add3A_641 = vector.broadcast %mul3A_2 : i32 to vector<16xi32>
    %add3A_642 = arith.addi %get3A_640, %add3A_641 : vector<16xi32>
    %swap3A_643 = arith.constant 3 : i32
    %swap3A_644 = arith.index_cast %swap3A_643 : i32 to index
    %swap3A_645 = arith.constant 112 : index
    %swap3A_646 = tpu.vector_load %arg8[%swap3A_644, %swap3A_645] {strides = array<i32>} : memref<5x128xi32, #tpu.memory_space<vmem>>, vector<1x16xi32>,
    %swap3A_647 = vector.shape_cast %swap3A_646 : vector<1x16xi32> to vector<16xi32>
    %swap3A_648 = vector.shape_cast %add3A_642 : vector<16xi32> to vector<1x16xi32>
    tpu.vector_store %arg8[%swap3A_644, %swap3A_645], %swap3A_648 {strides = array<i32>} : memref<5x128xi32, #tpu.memory_space<vmem>>, vector<1x16xi32>,
    %dma_start3A_649 = arith.constant 3 : i32
    %dma_start3A_650 = arith.constant 384 : i32
    %dma_start3A_651 = arith.constant 0 : i32
    %dma_start3A_652 = tpu.memref_slice %arg9[%dma_start3A_650, %dma_start3A_651] : memref<640x128xf32, #tpu.memory_space<vmem>> -> memref<128x128xf32, #tpu.memory_space<vmem>>
    %dma_start3A_653 = arith.constant 0 : i32
    %dma_start3A_654 = tpu.memref_slice %arg6[%dma_start3A_649, %dma_start3A_653] : memref<5x128xi32, #tpu.memory_space<vmem>> -> memref<1x128xi32, #tpu.memory_space<vmem>>
    %dma_start3A_655 = tpu.memref_squeeze %dma_start3A_654 : memref<1x128xi32, #tpu.memory_space<vmem>> -> memref<128xi32, #tpu.memory_space<vmem>>
    %dma_start3A_656 = arith.constant 0 : i32
    %dma_start3A_657 = arith.constant 0 : i32
    %dma_start3A_658 = tpu.memref_slice %arg4[%dma_start3A_656, %dma_start3A_657] : memref<100000x128xf32, #tpu.memory_space<hbm>> -> memref<100000x128xf32, #tpu.memory_space<hbm>>
    tpu.enqueue_indirect_dma source(%dma_start3A_658 : memref<100000x128xf32, #tpu.memory_space<hbm>>) target(%dma_start3A_652 : memref<128x128xf32, #tpu.memory_space<vmem>>) offsets(%dma_start3A_655 : memref<128xi32, #tpu.memory_space<vmem>>) semaphore(%arg12 : memref<!tpu.dma_semaphore, #tpu.memory_space<semaphore_mem>>)
    %get3A_659 = arith.constant 4 : i32
    %get3A_660 = arith.index_cast %get3A_659 : i32 to index
    %get3A_661 = arith.constant 0 : index
    %get3A_662 = tpu.vector_load %arg7[%get3A_660, %get3A_661] {strides = array<i32>} : memref<5x128xi32, #tpu.memory_space<vmem>>, vector<1x16xi32>,
    %get3A_663 = vector.shape_cast %get3A_662 : vector<1x16xi32> to vector<16xi32>
    %add3A_664 = vector.broadcast %mul3A_2 : i32 to vector<16xi32>
    %add3A_665 = arith.addi %get3A_663, %add3A_664 : vector<16xi32>
    %swap3A_666 = arith.constant 4 : i32
    %swap3A_667 = arith.index_cast %swap3A_666 : i32 to index
    %swap3A_668 = arith.constant 0 : index
    %swap3A_669 = tpu.vector_load %arg8[%swap3A_667, %swap3A_668] {strides = array<i32>} : memref<5x128xi32, #tpu.memory_space<vmem>>, vector<1x16xi32>,
    %swap3A_670 = vector.shape_cast %swap3A_669 : vector<1x16xi32> to vector<16xi32>
    %swap3A_671 = vector.shape_cast %add3A_665 : vector<16xi32> to vector<1x16xi32>
    tpu.vector_store %arg8[%swap3A_667, %swap3A_668], %swap3A_671 {strides = array<i32>} : memref<5x128xi32, #tpu.memory_space<vmem>>, vector<1x16xi32>,
    %get3A_672 = arith.constant 4 : i32
    %get3A_673 = arith.index_cast %get3A_672 : i32 to index
    %get3A_674 = arith.constant 16 : index
    %get3A_675 = tpu.vector_load %arg7[%get3A_673, %get3A_674] {strides = array<i32>} : memref<5x128xi32, #tpu.memory_space<vmem>>, vector<1x16xi32>,
    %get3A_676 = vector.shape_cast %get3A_675 : vector<1x16xi32> to vector<16xi32>
    %add3A_677 = vector.broadcast %mul3A_2 : i32 to vector<16xi32>
    %add3A_678 = arith.addi %get3A_676, %add3A_677 : vector<16xi32>
    %swap3A_679 = arith.constant 4 : i32
    %swap3A_680 = arith.index_cast %swap3A_679 : i32 to index
    %swap3A_681 = arith.constant 16 : index
    %swap3A_682 = tpu.vector_load %arg8[%swap3A_680, %swap3A_681] {strides = array<i32>} : memref<5x128xi32, #tpu.memory_space<vmem>>, vector<1x16xi32>,
    %swap3A_683 = vector.shape_cast %swap3A_682 : vector<1x16xi32> to vector<16xi32>
    %swap3A_684 = vector.shape_cast %add3A_678 : vector<16xi32> to vector<1x16xi32>
    tpu.vector_store %arg8[%swap3A_680, %swap3A_681], %swap3A_684 {strides = array<i32>} : memref<5x128xi32, #tpu.memory_space<vmem>>, vector<1x16xi32>,
    %get3A_685 = arith.constant 4 : i32
    %get3A_686 = arith.index_cast %get3A_685 : i32 to index
    %get3A_687 = arith.constant 32 : index
    %get3A_688 = tpu.vector_load %arg7[%get3A_686, %get3A_687] {strides = array<i32>} : memref<5x128xi32, #tpu.memory_space<vmem>>, vector<1x16xi32>,
    %get3A_689 = vector.shape_cast %get3A_688 : vector<1x16xi32> to vector<16xi32>
    %add3A_690 = vector.broadcast %mul3A_2 : i32 to vector<16xi32>
    %add3A_691 = arith.addi %get3A_689, %add3A_690 : vector<16xi32>
    %swap3A_692 = arith.constant 4 : i32
    %swap3A_693 = arith.index_cast %swap3A_692 : i32 to index
    %swap3A_694 = arith.constant 32 : index
    %swap3A_695 = tpu.vector_load %arg8[%swap3A_693, %swap3A_694] {strides = array<i32>} : memref<5x128xi32, #tpu.memory_space<vmem>>, vector<1x16xi32>,
    %swap3A_696 = vector.shape_cast %swap3A_695 : vector<1x16xi32> to vector<16xi32>
    %swap3A_697 = vector.shape_cast %add3A_691 : vector<16xi32> to vector<1x16xi32>
    tpu.vector_store %arg8[%swap3A_693, %swap3A_694], %swap3A_697 {strides = array<i32>} : memref<5x128xi32, #tpu.memory_space<vmem>>, vector<1x16xi32>,
    %get3A_698 = arith.constant 4 : i32
    %get3A_699 = arith.index_cast %get3A_698 : i32 to index
    %get3A_700 = arith.constant 48 : index
    %get3A_701 = tpu.vector_load %arg7[%get3A_699, %get3A_700] {strides = array<i32>} : memref<5x128xi32, #tpu.memory_space<vmem>>, vector<1x16xi32>,
    %get3A_702 = vector.shape_cast %get3A_701 : vector<1x16xi32> to vector<16xi32>
    %add3A_703 = vector.broadcast %mul3A_2 : i32 to vector<16xi32>
    %add3A_704 = arith.addi %get3A_702, %add3A_703 : vector<16xi32>
    %swap3A_705 = arith.constant 4 : i32
    %swap3A_706 = arith.index_cast %swap3A_705 : i32 to index
    %swap3A_707 = arith.constant 48 : index
    %swap3A_708 = tpu.vector_load %arg8[%swap3A_706, %swap3A_707] {strides = array<i32>} : memref<5x128xi32, #tpu.memory_space<vmem>>, vector<1x16xi32>,
    %swap3A_709 = vector.shape_cast %swap3A_708 : vector<1x16xi32> to vector<16xi32>
    %swap3A_710 = vector.shape_cast %add3A_704 : vector<16xi32> to vector<1x16xi32>
    tpu.vector_store %arg8[%swap3A_706, %swap3A_707], %swap3A_710 {strides = array<i32>} : memref<5x128xi32, #tpu.memory_space<vmem>>, vector<1x16xi32>,
    %get3A_711 = arith.constant 4 : i32
    %get3A_712 = arith.index_cast %get3A_711 : i32 to index
    %get3A_713 = arith.constant 64 : index
    %get3A_714 = tpu.vector_load %arg7[%get3A_712, %get3A_713] {strides = array<i32>} : memref<5x128xi32, #tpu.memory_space<vmem>>, vector<1x16xi32>,
    %get3A_715 = vector.shape_cast %get3A_714 : vector<1x16xi32> to vector<16xi32>
    %add3A_716 = vector.broadcast %mul3A_2 : i32 to vector<16xi32>
    %add3A_717 = arith.addi %get3A_715, %add3A_716 : vector<16xi32>
    %swap3A_718 = arith.constant 4 : i32
    %swap3A_719 = arith.index_cast %swap3A_718 : i32 to index
    %swap3A_720 = arith.constant 64 : index
    %swap3A_721 = tpu.vector_load %arg8[%swap3A_719, %swap3A_720] {strides = array<i32>} : memref<5x128xi32, #tpu.memory_space<vmem>>, vector<1x16xi32>,
    %swap3A_722 = vector.shape_cast %swap3A_721 : vector<1x16xi32> to vector<16xi32>
    %swap3A_723 = vector.shape_cast %add3A_717 : vector<16xi32> to vector<1x16xi32>
    tpu.vector_store %arg8[%swap3A_719, %swap3A_720], %swap3A_723 {strides = array<i32>} : memref<5x128xi32, #tpu.memory_space<vmem>>, vector<1x16xi32>,
    %get3A_724 = arith.constant 4 : i32
    %get3A_725 = arith.index_cast %get3A_724 : i32 to index
    %get3A_726 = arith.constant 80 : index
    %get3A_727 = tpu.vector_load %arg7[%get3A_725, %get3A_726] {strides = array<i32>} : memref<5x128xi32, #tpu.memory_space<vmem>>, vector<1x16xi32>,
    %get3A_728 = vector.shape_cast %get3A_727 : vector<1x16xi32> to vector<16xi32>
    %add3A_729 = vector.broadcast %mul3A_2 : i32 to vector<16xi32>
    %add3A_730 = arith.addi %get3A_728, %add3A_729 : vector<16xi32>
    %swap3A_731 = arith.constant 4 : i32
    %swap3A_732 = arith.index_cast %swap3A_731 : i32 to index
    %swap3A_733 = arith.constant 80 : index
    %swap3A_734 = tpu.vector_load %arg8[%swap3A_732, %swap3A_733] {strides = array<i32>} : memref<5x128xi32, #tpu.memory_space<vmem>>, vector<1x16xi32>,
    %swap3A_735 = vector.shape_cast %swap3A_734 : vector<1x16xi32> to vector<16xi32>
    %swap3A_736 = vector.shape_cast %add3A_730 : vector<16xi32> to vector<1x16xi32>
    tpu.vector_store %arg8[%swap3A_732, %swap3A_733], %swap3A_736 {strides = array<i32>} : memref<5x128xi32, #tpu.memory_space<vmem>>, vector<1x16xi32>,
    %get3A_737 = arith.constant 4 : i32
    %get3A_738 = arith.index_cast %get3A_737 : i32 to index
    %get3A_739 = arith.constant 96 : index
    %get3A_740 = tpu.vector_load %arg7[%get3A_738, %get3A_739] {strides = array<i32>} : memref<5x128xi32, #tpu.memory_space<vmem>>, vector<1x16xi32>,
    %get3A_741 = vector.shape_cast %get3A_740 : vector<1x16xi32> to vector<16xi32>
    %add3A_742 = vector.broadcast %mul3A_2 : i32 to vector<16xi32>
    %add3A_743 = arith.addi %get3A_741, %add3A_742 : vector<16xi32>
    %swap3A_744 = arith.constant 4 : i32
    %swap3A_745 = arith.index_cast %swap3A_744 : i32 to index
    %swap3A_746 = arith.constant 96 : index
    %swap3A_747 = tpu.vector_load %arg8[%swap3A_745, %swap3A_746] {strides = array<i32>} : memref<5x128xi32, #tpu.memory_space<vmem>>, vector<1x16xi32>,
    %swap3A_748 = vector.shape_cast %swap3A_747 : vector<1x16xi32> to vector<16xi32>
    %swap3A_749 = vector.shape_cast %add3A_743 : vector<16xi32> to vector<1x16xi32>
    tpu.vector_store %arg8[%swap3A_745, %swap3A_746], %swap3A_749 {strides = array<i32>} : memref<5x128xi32, #tpu.memory_space<vmem>>, vector<1x16xi32>,
    %get3A_750 = arith.constant 4 : i32
    %get3A_751 = arith.index_cast %get3A_750 : i32 to index
    %get3A_752 = arith.constant 112 : index
    %get3A_753 = tpu.vector_load %arg7[%get3A_751, %get3A_752] {strides = array<i32>} : memref<5x128xi32, #tpu.memory_space<vmem>>, vector<1x16xi32>,
    %get3A_754 = vector.shape_cast %get3A_753 : vector<1x16xi32> to vector<16xi32>
    %add3A_755 = vector.broadcast %mul3A_2 : i32 to vector<16xi32>
    %add3A_756 = arith.addi %get3A_754, %add3A_755 : vector<16xi32>
    %swap3A_757 = arith.constant 4 : i32
    %swap3A_758 = arith.index_cast %swap3A_757 : i32 to index
    %swap3A_759 = arith.constant 112 : index
    %swap3A_760 = tpu.vector_load %arg8[%swap3A_758, %swap3A_759] {strides = array<i32>} : memref<5x128xi32, #tpu.memory_space<vmem>>, vector<1x16xi32>,
    %swap3A_761 = vector.shape_cast %swap3A_760 : vector<1x16xi32> to vector<16xi32>
    %swap3A_762 = vector.shape_cast %add3A_756 : vector<16xi32> to vector<1x16xi32>
    tpu.vector_store %arg8[%swap3A_758, %swap3A_759], %swap3A_762 {strides = array<i32>} : memref<5x128xi32, #tpu.memory_space<vmem>>, vector<1x16xi32>,
    %dma_start3A_763 = arith.constant 4 : i32
    %dma_start3A_764 = arith.constant 512 : i32
    %dma_start3A_765 = arith.constant 0 : i32
    %dma_start3A_766 = tpu.memref_slice %arg9[%dma_start3A_764, %dma_start3A_765] : memref<640x128xf32, #tpu.memory_space<vmem>> -> memref<128x128xf32, #tpu.memory_space<vmem>>
    %dma_start3A_767 = arith.constant 0 : i32
    %dma_start3A_768 = tpu.memref_slice %arg6[%dma_start3A_763, %dma_start3A_767] : memref<5x128xi32, #tpu.memory_space<vmem>> -> memref<1x128xi32, #tpu.memory_space<vmem>>
    %dma_start3A_769 = tpu.memref_squeeze %dma_start3A_768 : memref<1x128xi32, #tpu.memory_space<vmem>> -> memref<128xi32, #tpu.memory_space<vmem>>
    %dma_start3A_770 = arith.constant 0 : i32
    %dma_start3A_771 = arith.constant 0 : i32
    %dma_start3A_772 = tpu.memref_slice %arg4[%dma_start3A_770, %dma_start3A_771] : memref<100000x128xf32, #tpu.memory_space<hbm>> -> memref<100000x128xf32, #tpu.memory_space<hbm>>
    tpu.enqueue_indirect_dma source(%dma_start3A_772 : memref<100000x128xf32, #tpu.memory_space<hbm>>) target(%dma_start3A_766 : memref<128x128xf32, #tpu.memory_space<vmem>>) offsets(%dma_start3A_769 : memref<128xi32, #tpu.memory_space<vmem>>) semaphore(%arg12 : memref<!tpu.dma_semaphore, #tpu.memory_space<semaphore_mem>>)
    %dma_wait3A = arith.constant 0 : i32
    %dma_wait3A_773 = arith.constant 0 : i32
    %dma_wait3A_774 = tpu.memref_slice %arg9[%dma_wait3A, %dma_wait3A_773] : memref<640x128xf32, #tpu.memory_space<vmem>> -> memref<32x128xf32, #tpu.memory_space<vmem>>
    %dma_wait3A_775 = arith.constant 0 : i32
    %dma_wait3A_776 = tpu.memref_slice %arg10[%mul3A_2, %dma_wait3A_775] : memref<512x128xf32, #tpu.memory_space<vmem_shared>> -> memref<32x128xf32, #tpu.memory_space<vmem_shared>>
    %dma_wait3A_777 = arith.constant 0 : i32
    %dma_wait3A_778 = tpu.memref_slice %arg10[%mul3A_2, %dma_wait3A_777] : memref<512x128xf32, #tpu.memory_space<vmem_shared>> -> memref<32x128xf32, #tpu.memory_space<vmem_shared>>
    %dma_wait3A_779 = arith.constant 0 : i32
    %dma_wait3A_780 = arith.constant 0 : i32
    %dma_wait3A_781 = tpu.memref_slice %arg9[%dma_wait3A_779, %dma_wait3A_780] : memref<640x128xf32, #tpu.memory_space<vmem>> -> memref<32x128xf32, #tpu.memory_space<vmem>>
    tpu.wait_dma2 semaphore(%arg13 : memref<!tpu.dma_semaphore, #tpu.memory_space<semaphore_mem>>) src(%dma_wait3A_781 : memref<32x128xf32, #tpu.memory_space<vmem>>) dst(%dma_wait3A_778 : memref<32x128xf32, #tpu.memory_space<vmem_shared>>)
    %dma_wait3A_782 = arith.constant 0 : i32
    %dma_wait3A_783 = arith.constant 0 : i32
    %dma_wait3A_784 = arith.constant 0 : i32
    %dma_wait3A_785 = tpu.memref_slice %arg9[%dma_wait3A_783, %dma_wait3A_784] : memref<640x128xf32, #tpu.memory_space<vmem>> -> memref<128x128xf32, #tpu.memory_space<vmem>>
    %dma_wait3A_786 = arith.constant 0 : i32
    %dma_wait3A_787 = tpu.memref_slice %arg6[%dma_wait3A_782, %dma_wait3A_786] : memref<5x128xi32, #tpu.memory_space<vmem>> -> memref<1x128xi32, #tpu.memory_space<vmem>>
    %dma_wait3A_788 = tpu.memref_squeeze %dma_wait3A_787 : memref<1x128xi32, #tpu.memory_space<vmem>> -> memref<128xi32, #tpu.memory_space<vmem>>
    %dma_wait3A_789 = arith.constant 0 : i32
    %dma_wait3A_790 = arith.constant 0 : i32
    %dma_wait3A_791 = tpu.memref_slice %arg4[%dma_wait3A_789, %dma_wait3A_790] : memref<100000x128xf32, #tpu.memory_space<hbm>> -> memref<100000x128xf32, #tpu.memory_space<hbm>>
    tpu.wait_indirect_dma semaphore(%arg12 : memref<!tpu.dma_semaphore, #tpu.memory_space<semaphore_mem>>) src(%dma_wait3A_791 : memref<100000x128xf32, #tpu.memory_space<hbm>>) dst(%dma_wait3A_785 : memref<128x128xf32, #tpu.memory_space<vmem>>)
    %dma_wait3A_792 = arith.constant 1 : i32
    %dma_wait3A_793 = arith.constant 128 : i32
    %dma_wait3A_794 = arith.constant 0 : i32
    %dma_wait3A_795 = tpu.memref_slice %arg9[%dma_wait3A_793, %dma_wait3A_794] : memref<640x128xf32, #tpu.memory_space<vmem>> -> memref<128x128xf32, #tpu.memory_space<vmem>>
    %dma_wait3A_796 = arith.constant 0 : i32
    %dma_wait3A_797 = tpu.memref_slice %arg6[%dma_wait3A_792, %dma_wait3A_796] : memref<5x128xi32, #tpu.memory_space<vmem>> -> memref<1x128xi32, #tpu.memory_space<vmem>>
    %dma_wait3A_798 = tpu.memref_squeeze %dma_wait3A_797 : memref<1x128xi32, #tpu.memory_space<vmem>> -> memref<128xi32, #tpu.memory_space<vmem>>
    %dma_wait3A_799 = arith.constant 0 : i32
    %dma_wait3A_800 = arith.constant 0 : i32
    %dma_wait3A_801 = tpu.memref_slice %arg4[%dma_wait3A_799, %dma_wait3A_800] : memref<100000x128xf32, #tpu.memory_space<hbm>> -> memref<100000x128xf32, #tpu.memory_space<hbm>>
    tpu.wait_indirect_dma semaphore(%arg12 : memref<!tpu.dma_semaphore, #tpu.memory_space<semaphore_mem>>) src(%dma_wait3A_801 : memref<100000x128xf32, #tpu.memory_space<hbm>>) dst(%dma_wait3A_795 : memref<128x128xf32, #tpu.memory_space<vmem>>)
    %dma_wait3A_802 = arith.constant 2 : i32
    %dma_wait3A_803 = arith.constant 256 : i32
    %dma_wait3A_804 = arith.constant 0 : i32
    %dma_wait3A_805 = tpu.memref_slice %arg9[%dma_wait3A_803, %dma_wait3A_804] : memref<640x128xf32, #tpu.memory_space<vmem>> -> memref<128x128xf32, #tpu.memory_space<vmem>>
    %dma_wait3A_806 = arith.constant 0 : i32
    %dma_wait3A_807 = tpu.memref_slice %arg6[%dma_wait3A_802, %dma_wait3A_806] : memref<5x128xi32, #tpu.memory_space<vmem>> -> memref<1x128xi32, #tpu.memory_space<vmem>>
    %dma_wait3A_808 = tpu.memref_squeeze %dma_wait3A_807 : memref<1x128xi32, #tpu.memory_space<vmem>> -> memref<128xi32, #tpu.memory_space<vmem>>
    %dma_wait3A_809 = arith.constant 0 : i32
    %dma_wait3A_810 = arith.constant 0 : i32
    %dma_wait3A_811 = tpu.memref_slice %arg4[%dma_wait3A_809, %dma_wait3A_810] : memref<100000x128xf32, #tpu.memory_space<hbm>> -> memref<100000x128xf32, #tpu.memory_space<hbm>>
    tpu.wait_indirect_dma semaphore(%arg12 : memref<!tpu.dma_semaphore, #tpu.memory_space<semaphore_mem>>) src(%dma_wait3A_811 : memref<100000x128xf32, #tpu.memory_space<hbm>>) dst(%dma_wait3A_805 : memref<128x128xf32, #tpu.memory_space<vmem>>)
    %dma_wait3A_812 = arith.constant 3 : i32
    %dma_wait3A_813 = arith.constant 384 : i32
    %dma_wait3A_814 = arith.constant 0 : i32
    %dma_wait3A_815 = tpu.memref_slice %arg9[%dma_wait3A_813, %dma_wait3A_814] : memref<640x128xf32, #tpu.memory_space<vmem>> -> memref<128x128xf32, #tpu.memory_space<vmem>>
    %dma_wait3A_816 = arith.constant 0 : i32
    %dma_wait3A_817 = tpu.memref_slice %arg6[%dma_wait3A_812, %dma_wait3A_816] : memref<5x128xi32, #tpu.memory_space<vmem>> -> memref<1x128xi32, #tpu.memory_space<vmem>>
    %dma_wait3A_818 = tpu.memref_squeeze %dma_wait3A_817 : memref<1x128xi32, #tpu.memory_space<vmem>> -> memref<128xi32, #tpu.memory_space<vmem>>
    %dma_wait3A_819 = arith.constant 0 : i32
    %dma_wait3A_820 = arith.constant 0 : i32
    %dma_wait3A_821 = tpu.memref_slice %arg4[%dma_wait3A_819, %dma_wait3A_820] : memref<100000x128xf32, #tpu.memory_space<hbm>> -> memref<100000x128xf32, #tpu.memory_space<hbm>>
    tpu.wait_indirect_dma semaphore(%arg12 : memref<!tpu.dma_semaphore, #tpu.memory_space<semaphore_mem>>) src(%dma_wait3A_821 : memref<100000x128xf32, #tpu.memory_space<hbm>>) dst(%dma_wait3A_815 : memref<128x128xf32, #tpu.memory_space<vmem>>)
    %dma_wait3A_822 = arith.constant 4 : i32
    %dma_wait3A_823 = arith.constant 512 : i32
    %dma_wait3A_824 = arith.constant 0 : i32
    %dma_wait3A_825 = tpu.memref_slice %arg9[%dma_wait3A_823, %dma_wait3A_824] : memref<640x128xf32, #tpu.memory_space<vmem>> -> memref<128x128xf32, #tpu.memory_space<vmem>>
    %dma_wait3A_826 = arith.constant 0 : i32
    %dma_wait3A_827 = tpu.memref_slice %arg6[%dma_wait3A_822, %dma_wait3A_826] : memref<5x128xi32, #tpu.memory_space<vmem>> -> memref<1x128xi32, #tpu.memory_space<vmem>>
    %dma_wait3A_828 = tpu.memref_squeeze %dma_wait3A_827 : memref<1x128xi32, #tpu.memory_space<vmem>> -> memref<128xi32, #tpu.memory_space<vmem>>
    %dma_wait3A_829 = arith.constant 0 : i32
    %dma_wait3A_830 = arith.constant 0 : i32
    %dma_wait3A_831 = tpu.memref_slice %arg4[%dma_wait3A_829, %dma_wait3A_830] : memref<100000x128xf32, #tpu.memory_space<hbm>> -> memref<100000x128xf32, #tpu.memory_space<hbm>>
    tpu.wait_indirect_dma semaphore(%arg12 : memref<!tpu.dma_semaphore, #tpu.memory_space<semaphore_mem>>) src(%dma_wait3A_831 : memref<100000x128xf32, #tpu.memory_space<hbm>>) dst(%dma_wait3A_825 : memref<128x128xf32, #tpu.memory_space<vmem>>)
    %dma_start3A_832 = arith.constant 0 : i32
    %dma_start3A_833 = arith.constant 0 : i32
    %dma_start3A_834 = arith.constant 0 : i32
    %dma_start3A_835 = tpu.memref_slice %arg9[%dma_start3A_833, %dma_start3A_834] : memref<640x128xf32, #tpu.memory_space<vmem>> -> memref<128x128xf32, #tpu.memory_space<vmem>>
    %dma_start3A_836 = arith.constant 0 : i32
    %dma_start3A_837 = tpu.memref_slice %arg8[%dma_start3A_832, %dma_start3A_836] : memref<5x128xi32, #tpu.memory_space<vmem>> -> memref<1x128xi32, #tpu.memory_space<vmem>>
    %dma_start3A_838 = tpu.memref_squeeze %dma_start3A_837 : memref<1x128xi32, #tpu.memory_space<vmem>> -> memref<128xi32, #tpu.memory_space<vmem>>
    %dma_start3A_839 = arith.constant 0 : i32
    %dma_start3A_840 = arith.constant 0 : i32
    %dma_start3A_841 = tpu.memref_slice %arg10[%dma_start3A_839, %dma_start3A_840] : memref<512x128xf32, #tpu.memory_space<vmem_shared>> -> memref<512x128xf32, #tpu.memory_space<vmem_shared>>
    tpu.enqueue_indirect_dma source(%dma_start3A_835 : memref<128x128xf32, #tpu.memory_space<vmem>>) target(%dma_start3A_841 : memref<512x128xf32, #tpu.memory_space<vmem_shared>>) offsets(%dma_start3A_838 : memref<128xi32, #tpu.memory_space<vmem>>) semaphore(%arg13 : memref<!tpu.dma_semaphore, #tpu.memory_space<semaphore_mem>>) {add = true}
    %dma_start3A_842 = arith.constant 1 : i32
    %dma_start3A_843 = arith.constant 128 : i32
    %dma_start3A_844 = arith.constant 0 : i32
    %dma_start3A_845 = tpu.memref_slice %arg9[%dma_start3A_843, %dma_start3A_844] : memref<640x128xf32, #tpu.memory_space<vmem>> -> memref<128x128xf32, #tpu.memory_space<vmem>>
    %dma_start3A_846 = arith.constant 0 : i32
    %dma_start3A_847 = tpu.memref_slice %arg8[%dma_start3A_842, %dma_start3A_846] : memref<5x128xi32, #tpu.memory_space<vmem>> -> memref<1x128xi32, #tpu.memory_space<vmem>>
    %dma_start3A_848 = tpu.memref_squeeze %dma_start3A_847 : memref<1x128xi32, #tpu.memory_space<vmem>> -> memref<128xi32, #tpu.memory_space<vmem>>
    %dma_start3A_849 = arith.constant 0 : i32
    %dma_start3A_850 = arith.constant 0 : i32
    %dma_start3A_851 = tpu.memref_slice %arg10[%dma_start3A_849, %dma_start3A_850] : memref<512x128xf32, #tpu.memory_space<vmem_shared>> -> memref<512x128xf32, #tpu.memory_space<vmem_shared>>
    tpu.enqueue_indirect_dma source(%dma_start3A_845 : memref<128x128xf32, #tpu.memory_space<vmem>>) target(%dma_start3A_851 : memref<512x128xf32, #tpu.memory_space<vmem_shared>>) offsets(%dma_start3A_848 : memref<128xi32, #tpu.memory_space<vmem>>) semaphore(%arg13 : memref<!tpu.dma_semaphore, #tpu.memory_space<semaphore_mem>>) {add = true}
    %dma_start3A_852 = arith.constant 2 : i32
    %dma_start3A_853 = arith.constant 256 : i32
    %dma_start3A_854 = arith.constant 0 : i32
    %dma_start3A_855 = tpu.memref_slice %arg9[%dma_start3A_853, %dma_start3A_854] : memref<640x128xf32, #tpu.memory_space<vmem>> -> memref<128x128xf32, #tpu.memory_space<vmem>>
    %dma_start3A_856 = arith.constant 0 : i32
    %dma_start3A_857 = tpu.memref_slice %arg8[%dma_start3A_852, %dma_start3A_856] : memref<5x128xi32, #tpu.memory_space<vmem>> -> memref<1x128xi32, #tpu.memory_space<vmem>>
    %dma_start3A_858 = tpu.memref_squeeze %dma_start3A_857 : memref<1x128xi32, #tpu.memory_space<vmem>> -> memref<128xi32, #tpu.memory_space<vmem>>
    %dma_start3A_859 = arith.constant 0 : i32
    %dma_start3A_860 = arith.constant 0 : i32
    %dma_start3A_861 = tpu.memref_slice %arg10[%dma_start3A_859, %dma_start3A_860] : memref<512x128xf32, #tpu.memory_space<vmem_shared>> -> memref<512x128xf32, #tpu.memory_space<vmem_shared>>
    tpu.enqueue_indirect_dma source(%dma_start3A_855 : memref<128x128xf32, #tpu.memory_space<vmem>>) target(%dma_start3A_861 : memref<512x128xf32, #tpu.memory_space<vmem_shared>>) offsets(%dma_start3A_858 : memref<128xi32, #tpu.memory_space<vmem>>) semaphore(%arg13 : memref<!tpu.dma_semaphore, #tpu.memory_space<semaphore_mem>>) {add = true}
    %dma_start3A_862 = arith.constant 3 : i32
    %dma_start3A_863 = arith.constant 384 : i32
    %dma_start3A_864 = arith.constant 0 : i32
    %dma_start3A_865 = tpu.memref_slice %arg9[%dma_start3A_863, %dma_start3A_864] : memref<640x128xf32, #tpu.memory_space<vmem>> -> memref<128x128xf32, #tpu.memory_space<vmem>>
    %dma_start3A_866 = arith.constant 0 : i32
    %dma_start3A_867 = tpu.memref_slice %arg8[%dma_start3A_862, %dma_start3A_866] : memref<5x128xi32, #tpu.memory_space<vmem>> -> memref<1x128xi32, #tpu.memory_space<vmem>>
    %dma_start3A_868 = tpu.memref_squeeze %dma_start3A_867 : memref<1x128xi32, #tpu.memory_space<vmem>> -> memref<128xi32, #tpu.memory_space<vmem>>
    %dma_start3A_869 = arith.constant 0 : i32
    %dma_start3A_870 = arith.constant 0 : i32
    %dma_start3A_871 = tpu.memref_slice %arg10[%dma_start3A_869, %dma_start3A_870] : memref<512x128xf32, #tpu.memory_space<vmem_shared>> -> memref<512x128xf32, #tpu.memory_space<vmem_shared>>
    tpu.enqueue_indirect_dma source(%dma_start3A_865 : memref<128x128xf32, #tpu.memory_space<vmem>>) target(%dma_start3A_871 : memref<512x128xf32, #tpu.memory_space<vmem_shared>>) offsets(%dma_start3A_868 : memref<128xi32, #tpu.memory_space<vmem>>) semaphore(%arg13 : memref<!tpu.dma_semaphore, #tpu.memory_space<semaphore_mem>>) {add = true}
    %dma_start3A_872 = arith.constant 4 : i32
    %dma_start3A_873 = arith.constant 512 : i32
    %dma_start3A_874 = arith.constant 0 : i32
    %dma_start3A_875 = tpu.memref_slice %arg9[%dma_start3A_873, %dma_start3A_874] : memref<640x128xf32, #tpu.memory_space<vmem>> -> memref<128x128xf32, #tpu.memory_space<vmem>>
    %dma_start3A_876 = arith.constant 0 : i32
    %dma_start3A_877 = tpu.memref_slice %arg8[%dma_start3A_872, %dma_start3A_876] : memref<5x128xi32, #tpu.memory_space<vmem>> -> memref<1x128xi32, #tpu.memory_space<vmem>>
    %dma_start3A_878 = tpu.memref_squeeze %dma_start3A_877 : memref<1x128xi32, #tpu.memory_space<vmem>> -> memref<128xi32, #tpu.memory_space<vmem>>
    %dma_start3A_879 = arith.constant 0 : i32
    %dma_start3A_880 = arith.constant 0 : i32
    %dma_start3A_881 = tpu.memref_slice %arg10[%dma_start3A_879, %dma_start3A_880] : memref<512x128xf32, #tpu.memory_space<vmem_shared>> -> memref<512x128xf32, #tpu.memory_space<vmem_shared>>
    tpu.enqueue_indirect_dma source(%dma_start3A_875 : memref<128x128xf32, #tpu.memory_space<vmem>>) target(%dma_start3A_881 : memref<512x128xf32, #tpu.memory_space<vmem_shared>>) offsets(%dma_start3A_878 : memref<128xi32, #tpu.memory_space<vmem>>) semaphore(%arg13 : memref<!tpu.dma_semaphore, #tpu.memory_space<semaphore_mem>>) {add = true}
    %dma_wait3A_882 = arith.constant 0 : i32
    %dma_wait3A_883 = arith.constant 0 : i32
    %dma_wait3A_884 = arith.constant 0 : i32
    %dma_wait3A_885 = tpu.memref_slice %arg9[%dma_wait3A_883, %dma_wait3A_884] : memref<640x128xf32, #tpu.memory_space<vmem>> -> memref<128x128xf32, #tpu.memory_space<vmem>>
    %dma_wait3A_886 = arith.constant 0 : i32
    %dma_wait3A_887 = tpu.memref_slice %arg8[%dma_wait3A_882, %dma_wait3A_886] : memref<5x128xi32, #tpu.memory_space<vmem>> -> memref<1x128xi32, #tpu.memory_space<vmem>>
    %dma_wait3A_888 = tpu.memref_squeeze %dma_wait3A_887 : memref<1x128xi32, #tpu.memory_space<vmem>> -> memref<128xi32, #tpu.memory_space<vmem>>
    %dma_wait3A_889 = arith.constant 0 : i32
    %dma_wait3A_890 = arith.constant 0 : i32
    %dma_wait3A_891 = tpu.memref_slice %arg10[%dma_wait3A_889, %dma_wait3A_890] : memref<512x128xf32, #tpu.memory_space<vmem_shared>> -> memref<512x128xf32, #tpu.memory_space<vmem_shared>>
    tpu.wait_indirect_dma semaphore(%arg13 : memref<!tpu.dma_semaphore, #tpu.memory_space<semaphore_mem>>) src(%dma_wait3A_885 : memref<128x128xf32, #tpu.memory_space<vmem>>) dst(%dma_wait3A_891 : memref<512x128xf32, #tpu.memory_space<vmem_shared>>)
    %dma_wait3A_892 = arith.constant 1 : i32
    %dma_wait3A_893 = arith.constant 128 : i32
    %dma_wait3A_894 = arith.constant 0 : i32
    %dma_wait3A_895 = tpu.memref_slice %arg9[%dma_wait3A_893, %dma_wait3A_894] : memref<640x128xf32, #tpu.memory_space<vmem>> -> memref<128x128xf32, #tpu.memory_space<vmem>>
    %dma_wait3A_896 = arith.constant 0 : i32
    %dma_wait3A_897 = tpu.memref_slice %arg8[%dma_wait3A_892, %dma_wait3A_896] : memref<5x128xi32, #tpu.memory_space<vmem>> -> memref<1x128xi32, #tpu.memory_space<vmem>>
    %dma_wait3A_898 = tpu.memref_squeeze %dma_wait3A_897 : memref<1x128xi32, #tpu.memory_space<vmem>> -> memref<128xi32, #tpu.memory_space<vmem>>
    %dma_wait3A_899 = arith.constant 0 : i32
    %dma_wait3A_900 = arith.constant 0 : i32
    %dma_wait3A_901 = tpu.memref_slice %arg10[%dma_wait3A_899, %dma_wait3A_900] : memref<512x128xf32, #tpu.memory_space<vmem_shared>> -> memref<512x128xf32, #tpu.memory_space<vmem_shared>>
    tpu.wait_indirect_dma semaphore(%arg13 : memref<!tpu.dma_semaphore, #tpu.memory_space<semaphore_mem>>) src(%dma_wait3A_895 : memref<128x128xf32, #tpu.memory_space<vmem>>) dst(%dma_wait3A_901 : memref<512x128xf32, #tpu.memory_space<vmem_shared>>)
    %dma_wait3A_902 = arith.constant 2 : i32
    %dma_wait3A_903 = arith.constant 256 : i32
    %dma_wait3A_904 = arith.constant 0 : i32
    %dma_wait3A_905 = tpu.memref_slice %arg9[%dma_wait3A_903, %dma_wait3A_904] : memref<640x128xf32, #tpu.memory_space<vmem>> -> memref<128x128xf32, #tpu.memory_space<vmem>>
    %dma_wait3A_906 = arith.constant 0 : i32
    %dma_wait3A_907 = tpu.memref_slice %arg8[%dma_wait3A_902, %dma_wait3A_906] : memref<5x128xi32, #tpu.memory_space<vmem>> -> memref<1x128xi32, #tpu.memory_space<vmem>>
    %dma_wait3A_908 = tpu.memref_squeeze %dma_wait3A_907 : memref<1x128xi32, #tpu.memory_space<vmem>> -> memref<128xi32, #tpu.memory_space<vmem>>
    %dma_wait3A_909 = arith.constant 0 : i32
    %dma_wait3A_910 = arith.constant 0 : i32
    %dma_wait3A_911 = tpu.memref_slice %arg10[%dma_wait3A_909, %dma_wait3A_910] : memref<512x128xf32, #tpu.memory_space<vmem_shared>> -> memref<512x128xf32, #tpu.memory_space<vmem_shared>>
    tpu.wait_indirect_dma semaphore(%arg13 : memref<!tpu.dma_semaphore, #tpu.memory_space<semaphore_mem>>) src(%dma_wait3A_905 : memref<128x128xf32, #tpu.memory_space<vmem>>) dst(%dma_wait3A_911 : memref<512x128xf32, #tpu.memory_space<vmem_shared>>)
    %dma_wait3A_912 = arith.constant 3 : i32
    %dma_wait3A_913 = arith.constant 384 : i32
    %dma_wait3A_914 = arith.constant 0 : i32
    %dma_wait3A_915 = tpu.memref_slice %arg9[%dma_wait3A_913, %dma_wait3A_914] : memref<640x128xf32, #tpu.memory_space<vmem>> -> memref<128x128xf32, #tpu.memory_space<vmem>>
    %dma_wait3A_916 = arith.constant 0 : i32
    %dma_wait3A_917 = tpu.memref_slice %arg8[%dma_wait3A_912, %dma_wait3A_916] : memref<5x128xi32, #tpu.memory_space<vmem>> -> memref<1x128xi32, #tpu.memory_space<vmem>>
    %dma_wait3A_918 = tpu.memref_squeeze %dma_wait3A_917 : memref<1x128xi32, #tpu.memory_space<vmem>> -> memref<128xi32, #tpu.memory_space<vmem>>
    %dma_wait3A_919 = arith.constant 0 : i32
    %dma_wait3A_920 = arith.constant 0 : i32
    %dma_wait3A_921 = tpu.memref_slice %arg10[%dma_wait3A_919, %dma_wait3A_920] : memref<512x128xf32, #tpu.memory_space<vmem_shared>> -> memref<512x128xf32, #tpu.memory_space<vmem_shared>>
    tpu.wait_indirect_dma semaphore(%arg13 : memref<!tpu.dma_semaphore, #tpu.memory_space<semaphore_mem>>) src(%dma_wait3A_915 : memref<128x128xf32, #tpu.memory_space<vmem>>) dst(%dma_wait3A_921 : memref<512x128xf32, #tpu.memory_space<vmem_shared>>)
    %dma_wait3A_922 = arith.constant 4 : i32
    %dma_wait3A_923 = arith.constant 512 : i32
    %dma_wait3A_924 = arith.constant 0 : i32
    %dma_wait3A_925 = tpu.memref_slice %arg9[%dma_wait3A_923, %dma_wait3A_924] : memref<640x128xf32, #tpu.memory_space<vmem>> -> memref<128x128xf32, #tpu.memory_space<vmem>>
    %dma_wait3A_926 = arith.constant 0 : i32
    %dma_wait3A_927 = tpu.memref_slice %arg8[%dma_wait3A_922, %dma_wait3A_926] : memref<5x128xi32, #tpu.memory_space<vmem>> -> memref<1x128xi32, #tpu.memory_space<vmem>>
    %dma_wait3A_928 = tpu.memref_squeeze %dma_wait3A_927 : memref<1x128xi32, #tpu.memory_space<vmem>> -> memref<128xi32, #tpu.memory_space<vmem>>
    %dma_wait3A_929 = arith.constant 0 : i32
    %dma_wait3A_930 = arith.constant 0 : i32
    %dma_wait3A_931 = tpu.memref_slice %arg10[%dma_wait3A_929, %dma_wait3A_930] : memref<512x128xf32, #tpu.memory_space<vmem_shared>> -> memref<512x128xf32, #tpu.memory_space<vmem_shared>>
    tpu.wait_indirect_dma semaphore(%arg13 : memref<!tpu.dma_semaphore, #tpu.memory_space<semaphore_mem>>) src(%dma_wait3A_925 : memref<128x128xf32, #tpu.memory_space<vmem>>) dst(%dma_wait3A_931 : memref<512x128xf32, #tpu.memory_space<vmem_shared>>)
    "tpu.region"() ({
      %run_scoped3A = tpu.sem_alloc : memref<!tpu.dma_semaphore, #tpu.memory_space<semaphore_mem>>
      %dma_start3A_1320 = arith.constant 0 : i32
      %dma_start3A_1321 = arith.constant 0 : i32
      %dma_start3A_1322 = tpu.memref_slice %arg9[%dma_start3A_1320, %dma_start3A_1321] : memref<640x128xf32, #tpu.memory_space<vmem>> -> memref<32x128xf32, #tpu.memory_space<vmem>>
      %dma_start3A_1323 = arith.constant 0 : i32
      %dma_start3A_1324 = tpu.memref_slice %arg10[%mul3A_2, %dma_start3A_1323] : memref<512x128xf32, #tpu.memory_space<vmem_shared>> -> memref<32x128xf32, #tpu.memory_space<vmem_shared>>
      %dma_start3A_1325 = arith.constant 0 : i32
      %dma_start3A_1326 = arith.constant 0 : i32
      %dma_start3A_1327 = tpu.memref_slice %arg9[%dma_start3A_1325, %dma_start3A_1326] : memref<640x128xf32, #tpu.memory_space<vmem>> -> memref<32x128xf32, #tpu.memory_space<vmem>>
      %dma_start3A_1328 = arith.constant 0 : i32
      %dma_start3A_1329 = tpu.memref_slice %arg10[%mul3A_2, %dma_start3A_1328] : memref<512x128xf32, #tpu.memory_space<vmem_shared>> -> memref<32x128xf32, #tpu.memory_space<vmem_shared>>
      tpu.enqueue_dma source(%dma_start3A_1329 : memref<32x128xf32, #tpu.memory_space<vmem_shared>>) target(%dma_start3A_1327 : memref<32x128xf32, #tpu.memory_space<vmem>>) target_semaphore(%run_scoped3A : memref<!tpu.dma_semaphore, #tpu.memory_space<semaphore_mem>>)
      %dma_wait3A_1330 = arith.constant 0 : i32
      %dma_wait3A_1331 = arith.constant 0 : i32
      %dma_wait3A_1332 = tpu.memref_slice %arg9[%dma_wait3A_1330, %dma_wait3A_1331] : memref<640x128xf32, #tpu.memory_space<vmem>> -> memref<32x128xf32, #tpu.memory_space<vmem>>
      %dma_wait3A_1333 = arith.constant 0 : i32
      %dma_wait3A_1334 = tpu.memref_slice %arg10[%mul3A_2, %dma_wait3A_1333] : memref<512x128xf32, #tpu.memory_space<vmem_shared>> -> memref<32x128xf32, #tpu.memory_space<vmem_shared>>
      %dma_wait3A_1335 = arith.constant 0 : i32
      %dma_wait3A_1336 = arith.constant 0 : i32
      %dma_wait3A_1337 = tpu.memref_slice %arg9[%dma_wait3A_1335, %dma_wait3A_1336] : memref<640x128xf32, #tpu.memory_space<vmem>> -> memref<32x128xf32, #tpu.memory_space<vmem>>
      %dma_wait3A_1338 = arith.constant 0 : i32
      %dma_wait3A_1339 = tpu.memref_slice %arg10[%mul3A_2, %dma_wait3A_1338] : memref<512x128xf32, #tpu.memory_space<vmem_shared>> -> memref<32x128xf32, #tpu.memory_space<vmem_shared>>
      tpu.wait_dma2 semaphore(%run_scoped3A : memref<!tpu.dma_semaphore, #tpu.memory_space<semaphore_mem>>) src(%dma_wait3A_1339 : memref<32x128xf32, #tpu.memory_space<vmem_shared>>) dst(%dma_wait3A_1337 : memref<32x128xf32, #tpu.memory_space<vmem>>)
      tpu.yield
    }) : () -> ()
    %get3A_932 = arith.constant 0 : i32
    %get3A_933 = arith.index_cast %get3A_932 : i32 to index
    %get3A_934 = arith.constant 0 : index
    %get3A_935 = tpu.vector_load %arg9[%get3A_933, %get3A_934] {strides = array<i32>} : memref<640x128xf32, #tpu.memory_space<vmem>>, vector<1x16xf32>,
    %get3A_936 = vector.shape_cast %get3A_935 : vector<1x16xf32> to vector<16xf32>
    %mul3A_937 = arith.constant 5.000000e-02 : f32
    %mul3A_938 = vector.broadcast %mul3A_937 : f32 to vector<16xf32>
    %mul3A_939 = arith.mulf %get3A_936, %mul3A_938 : vector<16xf32>
    %swap3A_940 = arith.constant 0 : index
    %swap3A_941 = tpu.vector_load %arg11[%swap3A_940] {strides = array<i32>} : memref<512xf32, #tpu.memory_space<vmem>>, vector<16xf32>,
    %swap3A_942 = vector.shape_cast %swap3A_941 : vector<16xf32> to vector<16xf32>
    %swap3A_943 = vector.shape_cast %mul3A_939 : vector<16xf32> to vector<16xf32>
    tpu.vector_store %arg11[%swap3A_940], %swap3A_943 {strides = array<i32>} : memref<512xf32, #tpu.memory_space<vmem>>, vector<16xf32>,
    %get3A_944 = arith.constant 1 : i32
    %get3A_945 = arith.index_cast %get3A_944 : i32 to index
    %get3A_946 = arith.constant 0 : index
    %get3A_947 = tpu.vector_load %arg9[%get3A_945, %get3A_946] {strides = array<i32>} : memref<640x128xf32, #tpu.memory_space<vmem>>, vector<1x16xf32>,
    %get3A_948 = vector.shape_cast %get3A_947 : vector<1x16xf32> to vector<16xf32>
    %mul3A_949 = arith.constant 5.000000e-02 : f32
    %mul3A_950 = vector.broadcast %mul3A_949 : f32 to vector<16xf32>
    %mul3A_951 = arith.mulf %get3A_948, %mul3A_950 : vector<16xf32>
    %swap3A_952 = arith.constant 16 : index
    %swap3A_953 = tpu.vector_load %arg11[%swap3A_952] {strides = array<i32>} : memref<512xf32, #tpu.memory_space<vmem>>, vector<16xf32>,
    %swap3A_954 = vector.shape_cast %swap3A_953 : vector<16xf32> to vector<16xf32>
    %swap3A_955 = vector.shape_cast %mul3A_951 : vector<16xf32> to vector<16xf32>
    tpu.vector_store %arg11[%swap3A_952], %swap3A_955 {strides = array<i32>} : memref<512xf32, #tpu.memory_space<vmem>>, vector<16xf32>,
    %get3A_956 = arith.constant 2 : i32
    %get3A_957 = arith.index_cast %get3A_956 : i32 to index
    %get3A_958 = arith.constant 0 : index
    %get3A_959 = tpu.vector_load %arg9[%get3A_957, %get3A_958] {strides = array<i32>} : memref<640x128xf32, #tpu.memory_space<vmem>>, vector<1x16xf32>,
    %get3A_960 = vector.shape_cast %get3A_959 : vector<1x16xf32> to vector<16xf32>
    %mul3A_961 = arith.constant 5.000000e-02 : f32
    %mul3A_962 = vector.broadcast %mul3A_961 : f32 to vector<16xf32>
    %mul3A_963 = arith.mulf %get3A_960, %mul3A_962 : vector<16xf32>
    %swap3A_964 = arith.constant 32 : index
    %swap3A_965 = tpu.vector_load %arg11[%swap3A_964] {strides = array<i32>} : memref<512xf32, #tpu.memory_space<vmem>>, vector<16xf32>,
    %swap3A_966 = vector.shape_cast %swap3A_965 : vector<16xf32> to vector<16xf32>
    %swap3A_967 = vector.shape_cast %mul3A_963 : vector<16xf32> to vector<16xf32>
    tpu.vector_store %arg11[%swap3A_964], %swap3A_967 {strides = array<i32>} : memref<512xf32, #tpu.memory_space<vmem>>, vector<16xf32>,
    %get3A_968 = arith.constant 3 : i32
    %get3A_969 = arith.index_cast %get3A_968 : i32 to index
    %get3A_970 = arith.constant 0 : index
    %get3A_971 = tpu.vector_load %arg9[%get3A_969, %get3A_970] {strides = array<i32>} : memref<640x128xf32, #tpu.memory_space<vmem>>, vector<1x16xf32>,
    %get3A_972 = vector.shape_cast %get3A_971 : vector<1x16xf32> to vector<16xf32>
    %mul3A_973 = arith.constant 5.000000e-02 : f32
    %mul3A_974 = vector.broadcast %mul3A_973 : f32 to vector<16xf32>
    %mul3A_975 = arith.mulf %get3A_972, %mul3A_974 : vector<16xf32>
    %swap3A_976 = arith.constant 48 : index
    %swap3A_977 = tpu.vector_load %arg11[%swap3A_976] {strides = array<i32>} : memref<512xf32, #tpu.memory_space<vmem>>, vector<16xf32>,
    %swap3A_978 = vector.shape_cast %swap3A_977 : vector<16xf32> to vector<16xf32>
    %swap3A_979 = vector.shape_cast %mul3A_975 : vector<16xf32> to vector<16xf32>
    tpu.vector_store %arg11[%swap3A_976], %swap3A_979 {strides = array<i32>} : memref<512xf32, #tpu.memory_space<vmem>>, vector<16xf32>,
    %get3A_980 = arith.constant 4 : i32
    %get3A_981 = arith.index_cast %get3A_980 : i32 to index
    %get3A_982 = arith.constant 0 : index
    %get3A_983 = tpu.vector_load %arg9[%get3A_981, %get3A_982] {strides = array<i32>} : memref<640x128xf32, #tpu.memory_space<vmem>>, vector<1x16xf32>,
    %get3A_984 = vector.shape_cast %get3A_983 : vector<1x16xf32> to vector<16xf32>
    %mul3A_985 = arith.constant 5.000000e-02 : f32
    %mul3A_986 = vector.broadcast %mul3A_985 : f32 to vector<16xf32>
    %mul3A_987 = arith.mulf %get3A_984, %mul3A_986 : vector<16xf32>
    %swap3A_988 = arith.constant 64 : index
    %swap3A_989 = tpu.vector_load %arg11[%swap3A_988] {strides = array<i32>} : memref<512xf32, #tpu.memory_space<vmem>>, vector<16xf32>,
    %swap3A_990 = vector.shape_cast %swap3A_989 : vector<16xf32> to vector<16xf32>
    %swap3A_991 = vector.shape_cast %mul3A_987 : vector<16xf32> to vector<16xf32>
    tpu.vector_store %arg11[%swap3A_988], %swap3A_991 {strides = array<i32>} : memref<512xf32, #tpu.memory_space<vmem>>, vector<16xf32>,
    %get3A_992 = arith.constant 5 : i32
    %get3A_993 = arith.index_cast %get3A_992 : i32 to index
    %get3A_994 = arith.constant 0 : index
    %get3A_995 = tpu.vector_load %arg9[%get3A_993, %get3A_994] {strides = array<i32>} : memref<640x128xf32, #tpu.memory_space<vmem>>, vector<1x16xf32>,
    %get3A_996 = vector.shape_cast %get3A_995 : vector<1x16xf32> to vector<16xf32>
    %mul3A_997 = arith.constant 5.000000e-02 : f32
    %mul3A_998 = vector.broadcast %mul3A_997 : f32 to vector<16xf32>
    %mul3A_999 = arith.mulf %get3A_996, %mul3A_998 : vector<16xf32>
    %swap3A_1000 = arith.constant 80 : index
    %swap3A_1001 = tpu.vector_load %arg11[%swap3A_1000] {strides = array<i32>} : memref<512xf32, #tpu.memory_space<vmem>>, vector<16xf32>,
    %swap3A_1002 = vector.shape_cast %swap3A_1001 : vector<16xf32> to vector<16xf32>
    %swap3A_1003 = vector.shape_cast %mul3A_999 : vector<16xf32> to vector<16xf32>
    tpu.vector_store %arg11[%swap3A_1000], %swap3A_1003 {strides = array<i32>} : memref<512xf32, #tpu.memory_space<vmem>>, vector<16xf32>,
    %get3A_1004 = arith.constant 6 : i32
    %get3A_1005 = arith.index_cast %get3A_1004 : i32 to index
    %get3A_1006 = arith.constant 0 : index
    %get3A_1007 = tpu.vector_load %arg9[%get3A_1005, %get3A_1006] {strides = array<i32>} : memref<640x128xf32, #tpu.memory_space<vmem>>, vector<1x16xf32>,
    %get3A_1008 = vector.shape_cast %get3A_1007 : vector<1x16xf32> to vector<16xf32>
    %mul3A_1009 = arith.constant 5.000000e-02 : f32
    %mul3A_1010 = vector.broadcast %mul3A_1009 : f32 to vector<16xf32>
    %mul3A_1011 = arith.mulf %get3A_1008, %mul3A_1010 : vector<16xf32>
    %swap3A_1012 = arith.constant 96 : index
    %swap3A_1013 = tpu.vector_load %arg11[%swap3A_1012] {strides = array<i32>} : memref<512xf32, #tpu.memory_space<vmem>>, vector<16xf32>,
    %swap3A_1014 = vector.shape_cast %swap3A_1013 : vector<16xf32> to vector<16xf32>
    %swap3A_1015 = vector.shape_cast %mul3A_1011 : vector<16xf32> to vector<16xf32>
    tpu.vector_store %arg11[%swap3A_1012], %swap3A_1015 {strides = array<i32>} : memref<512xf32, #tpu.memory_space<vmem>>, vector<16xf32>,
    %get3A_1016 = arith.constant 7 : i32
    %get3A_1017 = arith.index_cast %get3A_1016 : i32 to index
    %get3A_1018 = arith.constant 0 : index
    %get3A_1019 = tpu.vector_load %arg9[%get3A_1017, %get3A_1018] {strides = array<i32>} : memref<640x128xf32, #tpu.memory_space<vmem>>, vector<1x16xf32>,
    %get3A_1020 = vector.shape_cast %get3A_1019 : vector<1x16xf32> to vector<16xf32>
    %mul3A_1021 = arith.constant 5.000000e-02 : f32
    %mul3A_1022 = vector.broadcast %mul3A_1021 : f32 to vector<16xf32>
    %mul3A_1023 = arith.mulf %get3A_1020, %mul3A_1022 : vector<16xf32>
    %swap3A_1024 = arith.constant 112 : index
    %swap3A_1025 = tpu.vector_load %arg11[%swap3A_1024] {strides = array<i32>} : memref<512xf32, #tpu.memory_space<vmem>>, vector<16xf32>,
    %swap3A_1026 = vector.shape_cast %swap3A_1025 : vector<16xf32> to vector<16xf32>
    %swap3A_1027 = vector.shape_cast %mul3A_1023 : vector<16xf32> to vector<16xf32>
    tpu.vector_store %arg11[%swap3A_1024], %swap3A_1027 {strides = array<i32>} : memref<512xf32, #tpu.memory_space<vmem>>, vector<16xf32>,
    %get3A_1028 = arith.constant 8 : i32
    %get3A_1029 = arith.index_cast %get3A_1028 : i32 to index
    %get3A_1030 = arith.constant 0 : index
    %get3A_1031 = tpu.vector_load %arg9[%get3A_1029, %get3A_1030] {strides = array<i32>} : memref<640x128xf32, #tpu.memory_space<vmem>>, vector<1x16xf32>,
    %get3A_1032 = vector.shape_cast %get3A_1031 : vector<1x16xf32> to vector<16xf32>
    %mul3A_1033 = arith.constant 5.000000e-02 : f32
    %mul3A_1034 = vector.broadcast %mul3A_1033 : f32 to vector<16xf32>
    %mul3A_1035 = arith.mulf %get3A_1032, %mul3A_1034 : vector<16xf32>
    %swap3A_1036 = arith.constant 128 : index
    %swap3A_1037 = tpu.vector_load %arg11[%swap3A_1036] {strides = array<i32>} : memref<512xf32, #tpu.memory_space<vmem>>, vector<16xf32>,
    %swap3A_1038 = vector.shape_cast %swap3A_1037 : vector<16xf32> to vector<16xf32>
    %swap3A_1039 = vector.shape_cast %mul3A_1035 : vector<16xf32> to vector<16xf32>
    tpu.vector_store %arg11[%swap3A_1036], %swap3A_1039 {strides = array<i32>} : memref<512xf32, #tpu.memory_space<vmem>>, vector<16xf32>,
    %get3A_1040 = arith.constant 9 : i32
    %get3A_1041 = arith.index_cast %get3A_1040 : i32 to index
    %get3A_1042 = arith.constant 0 : index
    %get3A_1043 = tpu.vector_load %arg9[%get3A_1041, %get3A_1042] {strides = array<i32>} : memref<640x128xf32, #tpu.memory_space<vmem>>, vector<1x16xf32>,
    %get3A_1044 = vector.shape_cast %get3A_1043 : vector<1x16xf32> to vector<16xf32>
    %mul3A_1045 = arith.constant 5.000000e-02 : f32
    %mul3A_1046 = vector.broadcast %mul3A_1045 : f32 to vector<16xf32>
    %mul3A_1047 = arith.mulf %get3A_1044, %mul3A_1046 : vector<16xf32>
    %swap3A_1048 = arith.constant 144 : index
    %swap3A_1049 = tpu.vector_load %arg11[%swap3A_1048] {strides = array<i32>} : memref<512xf32, #tpu.memory_space<vmem>>, vector<16xf32>,
    %swap3A_1050 = vector.shape_cast %swap3A_1049 : vector<16xf32> to vector<16xf32>
    %swap3A_1051 = vector.shape_cast %mul3A_1047 : vector<16xf32> to vector<16xf32>
    tpu.vector_store %arg11[%swap3A_1048], %swap3A_1051 {strides = array<i32>} : memref<512xf32, #tpu.memory_space<vmem>>, vector<16xf32>,
    %get3A_1052 = arith.constant 10 : i32
    %get3A_1053 = arith.index_cast %get3A_1052 : i32 to index
    %get3A_1054 = arith.constant 0 : index
    %get3A_1055 = tpu.vector_load %arg9[%get3A_1053, %get3A_1054] {strides = array<i32>} : memref<640x128xf32, #tpu.memory_space<vmem>>, vector<1x16xf32>,
    %get3A_1056 = vector.shape_cast %get3A_1055 : vector<1x16xf32> to vector<16xf32>
    %mul3A_1057 = arith.constant 5.000000e-02 : f32
    %mul3A_1058 = vector.broadcast %mul3A_1057 : f32 to vector<16xf32>
    %mul3A_1059 = arith.mulf %get3A_1056, %mul3A_1058 : vector<16xf32>
    %swap3A_1060 = arith.constant 160 : index
    %swap3A_1061 = tpu.vector_load %arg11[%swap3A_1060] {strides = array<i32>} : memref<512xf32, #tpu.memory_space<vmem>>, vector<16xf32>,
    %swap3A_1062 = vector.shape_cast %swap3A_1061 : vector<16xf32> to vector<16xf32>
    %swap3A_1063 = vector.shape_cast %mul3A_1059 : vector<16xf32> to vector<16xf32>
    tpu.vector_store %arg11[%swap3A_1060], %swap3A_1063 {strides = array<i32>} : memref<512xf32, #tpu.memory_space<vmem>>, vector<16xf32>,
    %get3A_1064 = arith.constant 11 : i32
    %get3A_1065 = arith.index_cast %get3A_1064 : i32 to index
    %get3A_1066 = arith.constant 0 : index
    %get3A_1067 = tpu.vector_load %arg9[%get3A_1065, %get3A_1066] {strides = array<i32>} : memref<640x128xf32, #tpu.memory_space<vmem>>, vector<1x16xf32>,
    %get3A_1068 = vector.shape_cast %get3A_1067 : vector<1x16xf32> to vector<16xf32>
    %mul3A_1069 = arith.constant 5.000000e-02 : f32
    %mul3A_1070 = vector.broadcast %mul3A_1069 : f32 to vector<16xf32>
    %mul3A_1071 = arith.mulf %get3A_1068, %mul3A_1070 : vector<16xf32>
    %swap3A_1072 = arith.constant 176 : index
    %swap3A_1073 = tpu.vector_load %arg11[%swap3A_1072] {strides = array<i32>} : memref<512xf32, #tpu.memory_space<vmem>>, vector<16xf32>,
    %swap3A_1074 = vector.shape_cast %swap3A_1073 : vector<16xf32> to vector<16xf32>
    %swap3A_1075 = vector.shape_cast %mul3A_1071 : vector<16xf32> to vector<16xf32>
    tpu.vector_store %arg11[%swap3A_1072], %swap3A_1075 {strides = array<i32>} : memref<512xf32, #tpu.memory_space<vmem>>, vector<16xf32>,
    %get3A_1076 = arith.constant 12 : i32
    %get3A_1077 = arith.index_cast %get3A_1076 : i32 to index
    %get3A_1078 = arith.constant 0 : index
    %get3A_1079 = tpu.vector_load %arg9[%get3A_1077, %get3A_1078] {strides = array<i32>} : memref<640x128xf32, #tpu.memory_space<vmem>>, vector<1x16xf32>,
    %get3A_1080 = vector.shape_cast %get3A_1079 : vector<1x16xf32> to vector<16xf32>
    %mul3A_1081 = arith.constant 5.000000e-02 : f32
    %mul3A_1082 = vector.broadcast %mul3A_1081 : f32 to vector<16xf32>
    %mul3A_1083 = arith.mulf %get3A_1080, %mul3A_1082 : vector<16xf32>
    %swap3A_1084 = arith.constant 192 : index
    %swap3A_1085 = tpu.vector_load %arg11[%swap3A_1084] {strides = array<i32>} : memref<512xf32, #tpu.memory_space<vmem>>, vector<16xf32>,
    %swap3A_1086 = vector.shape_cast %swap3A_1085 : vector<16xf32> to vector<16xf32>
    %swap3A_1087 = vector.shape_cast %mul3A_1083 : vector<16xf32> to vector<16xf32>
    tpu.vector_store %arg11[%swap3A_1084], %swap3A_1087 {strides = array<i32>} : memref<512xf32, #tpu.memory_space<vmem>>, vector<16xf32>,
    %get3A_1088 = arith.constant 13 : i32
    %get3A_1089 = arith.index_cast %get3A_1088 : i32 to index
    %get3A_1090 = arith.constant 0 : index
    %get3A_1091 = tpu.vector_load %arg9[%get3A_1089, %get3A_1090] {strides = array<i32>} : memref<640x128xf32, #tpu.memory_space<vmem>>, vector<1x16xf32>,
    %get3A_1092 = vector.shape_cast %get3A_1091 : vector<1x16xf32> to vector<16xf32>
    %mul3A_1093 = arith.constant 5.000000e-02 : f32
    %mul3A_1094 = vector.broadcast %mul3A_1093 : f32 to vector<16xf32>
    %mul3A_1095 = arith.mulf %get3A_1092, %mul3A_1094 : vector<16xf32>
    %swap3A_1096 = arith.constant 208 : index
    %swap3A_1097 = tpu.vector_load %arg11[%swap3A_1096] {strides = array<i32>} : memref<512xf32, #tpu.memory_space<vmem>>, vector<16xf32>,
    %swap3A_1098 = vector.shape_cast %swap3A_1097 : vector<16xf32> to vector<16xf32>
    %swap3A_1099 = vector.shape_cast %mul3A_1095 : vector<16xf32> to vector<16xf32>
    tpu.vector_store %arg11[%swap3A_1096], %swap3A_1099 {strides = array<i32>} : memref<512xf32, #tpu.memory_space<vmem>>, vector<16xf32>,
    %get3A_1100 = arith.constant 14 : i32
    %get3A_1101 = arith.index_cast %get3A_1100 : i32 to index
    %get3A_1102 = arith.constant 0 : index
    %get3A_1103 = tpu.vector_load %arg9[%get3A_1101, %get3A_1102] {strides = array<i32>} : memref<640x128xf32, #tpu.memory_space<vmem>>, vector<1x16xf32>,
    %get3A_1104 = vector.shape_cast %get3A_1103 : vector<1x16xf32> to vector<16xf32>
    %mul3A_1105 = arith.constant 5.000000e-02 : f32
    %mul3A_1106 = vector.broadcast %mul3A_1105 : f32 to vector<16xf32>
    %mul3A_1107 = arith.mulf %get3A_1104, %mul3A_1106 : vector<16xf32>
    %swap3A_1108 = arith.constant 224 : index
    %swap3A_1109 = tpu.vector_load %arg11[%swap3A_1108] {strides = array<i32>} : memref<512xf32, #tpu.memory_space<vmem>>, vector<16xf32>,
    %swap3A_1110 = vector.shape_cast %swap3A_1109 : vector<16xf32> to vector<16xf32>
    %swap3A_1111 = vector.shape_cast %mul3A_1107 : vector<16xf32> to vector<16xf32>
    tpu.vector_store %arg11[%swap3A_1108], %swap3A_1111 {strides = array<i32>} : memref<512xf32, #tpu.memory_space<vmem>>, vector<16xf32>,
    %get3A_1112 = arith.constant 15 : i32
    %get3A_1113 = arith.index_cast %get3A_1112 : i32 to index
    %get3A_1114 = arith.constant 0 : index
    %get3A_1115 = tpu.vector_load %arg9[%get3A_1113, %get3A_1114] {strides = array<i32>} : memref<640x128xf32, #tpu.memory_space<vmem>>, vector<1x16xf32>,
    %get3A_1116 = vector.shape_cast %get3A_1115 : vector<1x16xf32> to vector<16xf32>
    %mul3A_1117 = arith.constant 5.000000e-02 : f32
    %mul3A_1118 = vector.broadcast %mul3A_1117 : f32 to vector<16xf32>
    %mul3A_1119 = arith.mulf %get3A_1116, %mul3A_1118 : vector<16xf32>
    %swap3A_1120 = arith.constant 240 : index
    %swap3A_1121 = tpu.vector_load %arg11[%swap3A_1120] {strides = array<i32>} : memref<512xf32, #tpu.memory_space<vmem>>, vector<16xf32>,
    %swap3A_1122 = vector.shape_cast %swap3A_1121 : vector<16xf32> to vector<16xf32>
    %swap3A_1123 = vector.shape_cast %mul3A_1119 : vector<16xf32> to vector<16xf32>
    tpu.vector_store %arg11[%swap3A_1120], %swap3A_1123 {strides = array<i32>} : memref<512xf32, #tpu.memory_space<vmem>>, vector<16xf32>,
    %get3A_1124 = arith.constant 16 : i32
    %get3A_1125 = arith.index_cast %get3A_1124 : i32 to index
    %get3A_1126 = arith.constant 0 : index
    %get3A_1127 = tpu.vector_load %arg9[%get3A_1125, %get3A_1126] {strides = array<i32>} : memref<640x128xf32, #tpu.memory_space<vmem>>, vector<1x16xf32>,
    %get3A_1128 = vector.shape_cast %get3A_1127 : vector<1x16xf32> to vector<16xf32>
    %mul3A_1129 = arith.constant 5.000000e-02 : f32
    %mul3A_1130 = vector.broadcast %mul3A_1129 : f32 to vector<16xf32>
    %mul3A_1131 = arith.mulf %get3A_1128, %mul3A_1130 : vector<16xf32>
    %swap3A_1132 = arith.constant 256 : index
    %swap3A_1133 = tpu.vector_load %arg11[%swap3A_1132] {strides = array<i32>} : memref<512xf32, #tpu.memory_space<vmem>>, vector<16xf32>,
    %swap3A_1134 = vector.shape_cast %swap3A_1133 : vector<16xf32> to vector<16xf32>
    %swap3A_1135 = vector.shape_cast %mul3A_1131 : vector<16xf32> to vector<16xf32>
    tpu.vector_store %arg11[%swap3A_1132], %swap3A_1135 {strides = array<i32>} : memref<512xf32, #tpu.memory_space<vmem>>, vector<16xf32>,
    %get3A_1136 = arith.constant 17 : i32
    %get3A_1137 = arith.index_cast %get3A_1136 : i32 to index
    %get3A_1138 = arith.constant 0 : index
    %get3A_1139 = tpu.vector_load %arg9[%get3A_1137, %get3A_1138] {strides = array<i32>} : memref<640x128xf32, #tpu.memory_space<vmem>>, vector<1x16xf32>,
    %get3A_1140 = vector.shape_cast %get3A_1139 : vector<1x16xf32> to vector<16xf32>
    %mul3A_1141 = arith.constant 5.000000e-02 : f32
    %mul3A_1142 = vector.broadcast %mul3A_1141 : f32 to vector<16xf32>
    %mul3A_1143 = arith.mulf %get3A_1140, %mul3A_1142 : vector<16xf32>
    %swap3A_1144 = arith.constant 272 : index
    %swap3A_1145 = tpu.vector_load %arg11[%swap3A_1144] {strides = array<i32>} : memref<512xf32, #tpu.memory_space<vmem>>, vector<16xf32>,
    %swap3A_1146 = vector.shape_cast %swap3A_1145 : vector<16xf32> to vector<16xf32>
    %swap3A_1147 = vector.shape_cast %mul3A_1143 : vector<16xf32> to vector<16xf32>
    tpu.vector_store %arg11[%swap3A_1144], %swap3A_1147 {strides = array<i32>} : memref<512xf32, #tpu.memory_space<vmem>>, vector<16xf32>,
    %get3A_1148 = arith.constant 18 : i32
    %get3A_1149 = arith.index_cast %get3A_1148 : i32 to index
    %get3A_1150 = arith.constant 0 : index
    %get3A_1151 = tpu.vector_load %arg9[%get3A_1149, %get3A_1150] {strides = array<i32>} : memref<640x128xf32, #tpu.memory_space<vmem>>, vector<1x16xf32>,
    %get3A_1152 = vector.shape_cast %get3A_1151 : vector<1x16xf32> to vector<16xf32>
    %mul3A_1153 = arith.constant 5.000000e-02 : f32
    %mul3A_1154 = vector.broadcast %mul3A_1153 : f32 to vector<16xf32>
    %mul3A_1155 = arith.mulf %get3A_1152, %mul3A_1154 : vector<16xf32>
    %swap3A_1156 = arith.constant 288 : index
    %swap3A_1157 = tpu.vector_load %arg11[%swap3A_1156] {strides = array<i32>} : memref<512xf32, #tpu.memory_space<vmem>>, vector<16xf32>,
    %swap3A_1158 = vector.shape_cast %swap3A_1157 : vector<16xf32> to vector<16xf32>
    %swap3A_1159 = vector.shape_cast %mul3A_1155 : vector<16xf32> to vector<16xf32>
    tpu.vector_store %arg11[%swap3A_1156], %swap3A_1159 {strides = array<i32>} : memref<512xf32, #tpu.memory_space<vmem>>, vector<16xf32>,
    %get3A_1160 = arith.constant 19 : i32
    %get3A_1161 = arith.index_cast %get3A_1160 : i32 to index
    %get3A_1162 = arith.constant 0 : index
    %get3A_1163 = tpu.vector_load %arg9[%get3A_1161, %get3A_1162] {strides = array<i32>} : memref<640x128xf32, #tpu.memory_space<vmem>>, vector<1x16xf32>,
    %get3A_1164 = vector.shape_cast %get3A_1163 : vector<1x16xf32> to vector<16xf32>
    %mul3A_1165 = arith.constant 5.000000e-02 : f32
    %mul3A_1166 = vector.broadcast %mul3A_1165 : f32 to vector<16xf32>
    %mul3A_1167 = arith.mulf %get3A_1164, %mul3A_1166 : vector<16xf32>
    %swap3A_1168 = arith.constant 304 : index
    %swap3A_1169 = tpu.vector_load %arg11[%swap3A_1168] {strides = array<i32>} : memref<512xf32, #tpu.memory_space<vmem>>, vector<16xf32>,
    %swap3A_1170 = vector.shape_cast %swap3A_1169 : vector<16xf32> to vector<16xf32>
    %swap3A_1171 = vector.shape_cast %mul3A_1167 : vector<16xf32> to vector<16xf32>
    tpu.vector_store %arg11[%swap3A_1168], %swap3A_1171 {strides = array<i32>} : memref<512xf32, #tpu.memory_space<vmem>>, vector<16xf32>,
    %get3A_1172 = arith.constant 20 : i32
    %get3A_1173 = arith.index_cast %get3A_1172 : i32 to index
    %get3A_1174 = arith.constant 0 : index
    %get3A_1175 = tpu.vector_load %arg9[%get3A_1173, %get3A_1174] {strides = array<i32>} : memref<640x128xf32, #tpu.memory_space<vmem>>, vector<1x16xf32>,
    %get3A_1176 = vector.shape_cast %get3A_1175 : vector<1x16xf32> to vector<16xf32>
    %mul3A_1177 = arith.constant 5.000000e-02 : f32
    %mul3A_1178 = vector.broadcast %mul3A_1177 : f32 to vector<16xf32>
    %mul3A_1179 = arith.mulf %get3A_1176, %mul3A_1178 : vector<16xf32>
    %swap3A_1180 = arith.constant 320 : index
    %swap3A_1181 = tpu.vector_load %arg11[%swap3A_1180] {strides = array<i32>} : memref<512xf32, #tpu.memory_space<vmem>>, vector<16xf32>,
    %swap3A_1182 = vector.shape_cast %swap3A_1181 : vector<16xf32> to vector<16xf32>
    %swap3A_1183 = vector.shape_cast %mul3A_1179 : vector<16xf32> to vector<16xf32>
    tpu.vector_store %arg11[%swap3A_1180], %swap3A_1183 {strides = array<i32>} : memref<512xf32, #tpu.memory_space<vmem>>, vector<16xf32>,
    %get3A_1184 = arith.constant 21 : i32
    %get3A_1185 = arith.index_cast %get3A_1184 : i32 to index
    %get3A_1186 = arith.constant 0 : index
    %get3A_1187 = tpu.vector_load %arg9[%get3A_1185, %get3A_1186] {strides = array<i32>} : memref<640x128xf32, #tpu.memory_space<vmem>>, vector<1x16xf32>,
    %get3A_1188 = vector.shape_cast %get3A_1187 : vector<1x16xf32> to vector<16xf32>
    %mul3A_1189 = arith.constant 5.000000e-02 : f32
    %mul3A_1190 = vector.broadcast %mul3A_1189 : f32 to vector<16xf32>
    %mul3A_1191 = arith.mulf %get3A_1188, %mul3A_1190 : vector<16xf32>
    %swap3A_1192 = arith.constant 336 : index
    %swap3A_1193 = tpu.vector_load %arg11[%swap3A_1192] {strides = array<i32>} : memref<512xf32, #tpu.memory_space<vmem>>, vector<16xf32>,
    %swap3A_1194 = vector.shape_cast %swap3A_1193 : vector<16xf32> to vector<16xf32>
    %swap3A_1195 = vector.shape_cast %mul3A_1191 : vector<16xf32> to vector<16xf32>
    tpu.vector_store %arg11[%swap3A_1192], %swap3A_1195 {strides = array<i32>} : memref<512xf32, #tpu.memory_space<vmem>>, vector<16xf32>,
    %get3A_1196 = arith.constant 22 : i32
    %get3A_1197 = arith.index_cast %get3A_1196 : i32 to index
    %get3A_1198 = arith.constant 0 : index
    %get3A_1199 = tpu.vector_load %arg9[%get3A_1197, %get3A_1198] {strides = array<i32>} : memref<640x128xf32, #tpu.memory_space<vmem>>, vector<1x16xf32>,
    %get3A_1200 = vector.shape_cast %get3A_1199 : vector<1x16xf32> to vector<16xf32>
    %mul3A_1201 = arith.constant 5.000000e-02 : f32
    %mul3A_1202 = vector.broadcast %mul3A_1201 : f32 to vector<16xf32>
    %mul3A_1203 = arith.mulf %get3A_1200, %mul3A_1202 : vector<16xf32>
    %swap3A_1204 = arith.constant 352 : index
    %swap3A_1205 = tpu.vector_load %arg11[%swap3A_1204] {strides = array<i32>} : memref<512xf32, #tpu.memory_space<vmem>>, vector<16xf32>,
    %swap3A_1206 = vector.shape_cast %swap3A_1205 : vector<16xf32> to vector<16xf32>
    %swap3A_1207 = vector.shape_cast %mul3A_1203 : vector<16xf32> to vector<16xf32>
    tpu.vector_store %arg11[%swap3A_1204], %swap3A_1207 {strides = array<i32>} : memref<512xf32, #tpu.memory_space<vmem>>, vector<16xf32>,
    %get3A_1208 = arith.constant 23 : i32
    %get3A_1209 = arith.index_cast %get3A_1208 : i32 to index
    %get3A_1210 = arith.constant 0 : index
    %get3A_1211 = tpu.vector_load %arg9[%get3A_1209, %get3A_1210] {strides = array<i32>} : memref<640x128xf32, #tpu.memory_space<vmem>>, vector<1x16xf32>,
    %get3A_1212 = vector.shape_cast %get3A_1211 : vector<1x16xf32> to vector<16xf32>
    %mul3A_1213 = arith.constant 5.000000e-02 : f32
    %mul3A_1214 = vector.broadcast %mul3A_1213 : f32 to vector<16xf32>
    %mul3A_1215 = arith.mulf %get3A_1212, %mul3A_1214 : vector<16xf32>
    %swap3A_1216 = arith.constant 368 : index
    %swap3A_1217 = tpu.vector_load %arg11[%swap3A_1216] {strides = array<i32>} : memref<512xf32, #tpu.memory_space<vmem>>, vector<16xf32>,
    %swap3A_1218 = vector.shape_cast %swap3A_1217 : vector<16xf32> to vector<16xf32>
    %swap3A_1219 = vector.shape_cast %mul3A_1215 : vector<16xf32> to vector<16xf32>
    tpu.vector_store %arg11[%swap3A_1216], %swap3A_1219 {strides = array<i32>} : memref<512xf32, #tpu.memory_space<vmem>>, vector<16xf32>,
    %get3A_1220 = arith.constant 24 : i32
    %get3A_1221 = arith.index_cast %get3A_1220 : i32 to index
    %get3A_1222 = arith.constant 0 : index
    %get3A_1223 = tpu.vector_load %arg9[%get3A_1221, %get3A_1222] {strides = array<i32>} : memref<640x128xf32, #tpu.memory_space<vmem>>, vector<1x16xf32>,
    %get3A_1224 = vector.shape_cast %get3A_1223 : vector<1x16xf32> to vector<16xf32>
    %mul3A_1225 = arith.constant 5.000000e-02 : f32
    %mul3A_1226 = vector.broadcast %mul3A_1225 : f32 to vector<16xf32>
    %mul3A_1227 = arith.mulf %get3A_1224, %mul3A_1226 : vector<16xf32>
    %swap3A_1228 = arith.constant 384 : index
    %swap3A_1229 = tpu.vector_load %arg11[%swap3A_1228] {strides = array<i32>} : memref<512xf32, #tpu.memory_space<vmem>>, vector<16xf32>,
    %swap3A_1230 = vector.shape_cast %swap3A_1229 : vector<16xf32> to vector<16xf32>
    %swap3A_1231 = vector.shape_cast %mul3A_1227 : vector<16xf32> to vector<16xf32>
    tpu.vector_store %arg11[%swap3A_1228], %swap3A_1231 {strides = array<i32>} : memref<512xf32, #tpu.memory_space<vmem>>, vector<16xf32>,
    %get3A_1232 = arith.constant 25 : i32
    %get3A_1233 = arith.index_cast %get3A_1232 : i32 to index
    %get3A_1234 = arith.constant 0 : index
    %get3A_1235 = tpu.vector_load %arg9[%get3A_1233, %get3A_1234] {strides = array<i32>} : memref<640x128xf32, #tpu.memory_space<vmem>>, vector<1x16xf32>,
    %get3A_1236 = vector.shape_cast %get3A_1235 : vector<1x16xf32> to vector<16xf32>
    %mul3A_1237 = arith.constant 5.000000e-02 : f32
    %mul3A_1238 = vector.broadcast %mul3A_1237 : f32 to vector<16xf32>
    %mul3A_1239 = arith.mulf %get3A_1236, %mul3A_1238 : vector<16xf32>
    %swap3A_1240 = arith.constant 400 : index
    %swap3A_1241 = tpu.vector_load %arg11[%swap3A_1240] {strides = array<i32>} : memref<512xf32, #tpu.memory_space<vmem>>, vector<16xf32>,
    %swap3A_1242 = vector.shape_cast %swap3A_1241 : vector<16xf32> to vector<16xf32>
    %swap3A_1243 = vector.shape_cast %mul3A_1239 : vector<16xf32> to vector<16xf32>
    tpu.vector_store %arg11[%swap3A_1240], %swap3A_1243 {strides = array<i32>} : memref<512xf32, #tpu.memory_space<vmem>>, vector<16xf32>,
    %get3A_1244 = arith.constant 26 : i32
    %get3A_1245 = arith.index_cast %get3A_1244 : i32 to index
    %get3A_1246 = arith.constant 0 : index
    %get3A_1247 = tpu.vector_load %arg9[%get3A_1245, %get3A_1246] {strides = array<i32>} : memref<640x128xf32, #tpu.memory_space<vmem>>, vector<1x16xf32>,
    %get3A_1248 = vector.shape_cast %get3A_1247 : vector<1x16xf32> to vector<16xf32>
    %mul3A_1249 = arith.constant 5.000000e-02 : f32
    %mul3A_1250 = vector.broadcast %mul3A_1249 : f32 to vector<16xf32>
    %mul3A_1251 = arith.mulf %get3A_1248, %mul3A_1250 : vector<16xf32>
    %swap3A_1252 = arith.constant 416 : index
    %swap3A_1253 = tpu.vector_load %arg11[%swap3A_1252] {strides = array<i32>} : memref<512xf32, #tpu.memory_space<vmem>>, vector<16xf32>,
    %swap3A_1254 = vector.shape_cast %swap3A_1253 : vector<16xf32> to vector<16xf32>
    %swap3A_1255 = vector.shape_cast %mul3A_1251 : vector<16xf32> to vector<16xf32>
    tpu.vector_store %arg11[%swap3A_1252], %swap3A_1255 {strides = array<i32>} : memref<512xf32, #tpu.memory_space<vmem>>, vector<16xf32>,
    %get3A_1256 = arith.constant 27 : i32
    %get3A_1257 = arith.index_cast %get3A_1256 : i32 to index
    %get3A_1258 = arith.constant 0 : index
    %get3A_1259 = tpu.vector_load %arg9[%get3A_1257, %get3A_1258] {strides = array<i32>} : memref<640x128xf32, #tpu.memory_space<vmem>>, vector<1x16xf32>,
    %get3A_1260 = vector.shape_cast %get3A_1259 : vector<1x16xf32> to vector<16xf32>
    %mul3A_1261 = arith.constant 5.000000e-02 : f32
    %mul3A_1262 = vector.broadcast %mul3A_1261 : f32 to vector<16xf32>
    %mul3A_1263 = arith.mulf %get3A_1260, %mul3A_1262 : vector<16xf32>
    %swap3A_1264 = arith.constant 432 : index
    %swap3A_1265 = tpu.vector_load %arg11[%swap3A_1264] {strides = array<i32>} : memref<512xf32, #tpu.memory_space<vmem>>, vector<16xf32>,
    %swap3A_1266 = vector.shape_cast %swap3A_1265 : vector<16xf32> to vector<16xf32>
    %swap3A_1267 = vector.shape_cast %mul3A_1263 : vector<16xf32> to vector<16xf32>
    tpu.vector_store %arg11[%swap3A_1264], %swap3A_1267 {strides = array<i32>} : memref<512xf32, #tpu.memory_space<vmem>>, vector<16xf32>,
    %get3A_1268 = arith.constant 28 : i32
    %get3A_1269 = arith.index_cast %get3A_1268 : i32 to index
    %get3A_1270 = arith.constant 0 : index
    %get3A_1271 = tpu.vector_load %arg9[%get3A_1269, %get3A_1270] {strides = array<i32>} : memref<640x128xf32, #tpu.memory_space<vmem>>, vector<1x16xf32>,
    %get3A_1272 = vector.shape_cast %get3A_1271 : vector<1x16xf32> to vector<16xf32>
    %mul3A_1273 = arith.constant 5.000000e-02 : f32
    %mul3A_1274 = vector.broadcast %mul3A_1273 : f32 to vector<16xf32>
    %mul3A_1275 = arith.mulf %get3A_1272, %mul3A_1274 : vector<16xf32>
    %swap3A_1276 = arith.constant 448 : index
    %swap3A_1277 = tpu.vector_load %arg11[%swap3A_1276] {strides = array<i32>} : memref<512xf32, #tpu.memory_space<vmem>>, vector<16xf32>,
    %swap3A_1278 = vector.shape_cast %swap3A_1277 : vector<16xf32> to vector<16xf32>
    %swap3A_1279 = vector.shape_cast %mul3A_1275 : vector<16xf32> to vector<16xf32>
    tpu.vector_store %arg11[%swap3A_1276], %swap3A_1279 {strides = array<i32>} : memref<512xf32, #tpu.memory_space<vmem>>, vector<16xf32>,
    %get3A_1280 = arith.constant 29 : i32
    %get3A_1281 = arith.index_cast %get3A_1280 : i32 to index
    %get3A_1282 = arith.constant 0 : index
    %get3A_1283 = tpu.vector_load %arg9[%get3A_1281, %get3A_1282] {strides = array<i32>} : memref<640x128xf32, #tpu.memory_space<vmem>>, vector<1x16xf32>,
    %get3A_1284 = vector.shape_cast %get3A_1283 : vector<1x16xf32> to vector<16xf32>
    %mul3A_1285 = arith.constant 5.000000e-02 : f32
    %mul3A_1286 = vector.broadcast %mul3A_1285 : f32 to vector<16xf32>
    %mul3A_1287 = arith.mulf %get3A_1284, %mul3A_1286 : vector<16xf32>
    %swap3A_1288 = arith.constant 464 : index
    %swap3A_1289 = tpu.vector_load %arg11[%swap3A_1288] {strides = array<i32>} : memref<512xf32, #tpu.memory_space<vmem>>, vector<16xf32>,
    %swap3A_1290 = vector.shape_cast %swap3A_1289 : vector<16xf32> to vector<16xf32>
    %swap3A_1291 = vector.shape_cast %mul3A_1287 : vector<16xf32> to vector<16xf32>
    tpu.vector_store %arg11[%swap3A_1288], %swap3A_1291 {strides = array<i32>} : memref<512xf32, #tpu.memory_space<vmem>>, vector<16xf32>,
    %get3A_1292 = arith.constant 30 : i32
    %get3A_1293 = arith.index_cast %get3A_1292 : i32 to index
    %get3A_1294 = arith.constant 0 : index
    %get3A_1295 = tpu.vector_load %arg9[%get3A_1293, %get3A_1294] {strides = array<i32>} : memref<640x128xf32, #tpu.memory_space<vmem>>, vector<1x16xf32>,
    %get3A_1296 = vector.shape_cast %get3A_1295 : vector<1x16xf32> to vector<16xf32>
    %mul3A_1297 = arith.constant 5.000000e-02 : f32
    %mul3A_1298 = vector.broadcast %mul3A_1297 : f32 to vector<16xf32>
    %mul3A_1299 = arith.mulf %get3A_1296, %mul3A_1298 : vector<16xf32>
    %swap3A_1300 = arith.constant 480 : index
    %swap3A_1301 = tpu.vector_load %arg11[%swap3A_1300] {strides = array<i32>} : memref<512xf32, #tpu.memory_space<vmem>>, vector<16xf32>,
    %swap3A_1302 = vector.shape_cast %swap3A_1301 : vector<16xf32> to vector<16xf32>
    %swap3A_1303 = vector.shape_cast %mul3A_1299 : vector<16xf32> to vector<16xf32>
    tpu.vector_store %arg11[%swap3A_1300], %swap3A_1303 {strides = array<i32>} : memref<512xf32, #tpu.memory_space<vmem>>, vector<16xf32>,
    %get3A_1304 = arith.constant 31 : i32
    %get3A_1305 = arith.index_cast %get3A_1304 : i32 to index
    %get3A_1306 = arith.constant 0 : index
    %get3A_1307 = tpu.vector_load %arg9[%get3A_1305, %get3A_1306] {strides = array<i32>} : memref<640x128xf32, #tpu.memory_space<vmem>>, vector<1x16xf32>,
    %get3A_1308 = vector.shape_cast %get3A_1307 : vector<1x16xf32> to vector<16xf32>
    %mul3A_1309 = arith.constant 5.000000e-02 : f32
    %mul3A_1310 = vector.broadcast %mul3A_1309 : f32 to vector<16xf32>
    %mul3A_1311 = arith.mulf %get3A_1308, %mul3A_1310 : vector<16xf32>
    %swap3A_1312 = arith.constant 496 : index
    %swap3A_1313 = tpu.vector_load %arg11[%swap3A_1312] {strides = array<i32>} : memref<512xf32, #tpu.memory_space<vmem>>, vector<16xf32>,
    %swap3A_1314 = vector.shape_cast %swap3A_1313 : vector<16xf32> to vector<16xf32>
    %swap3A_1315 = vector.shape_cast %mul3A_1311 : vector<16xf32> to vector<16xf32>
    tpu.vector_store %arg11[%swap3A_1312], %swap3A_1315 {strides = array<i32>} : memref<512xf32, #tpu.memory_space<vmem>>, vector<16xf32>,
    %mul3A_1316 = arith.constant 32 : i32
    %mul3A_1317 = arith.muli %add3A, %mul3A_1316 : i32
    %mul3A_1318 = arith.constant 16 : i32
    %mul3A_1319 = arith.muli %mul3A_1317, %mul3A_1318 : i32
    "tpu.region"() ({
      %run_scoped3A = tpu.sem_alloc : memref<!tpu.dma_semaphore, #tpu.memory_space<semaphore_mem>>
      %dma_start3A_1320 = tpu.memref_slice %arg5[%mul3A_1319] : memref<16384xf32, #tpu.memory_space<hbm>> -> memref<512xf32, #tpu.memory_space<hbm>>
      %dma_start3A_1321 = tpu.memref_slice %arg5[%mul3A_1319] : memref<16384xf32, #tpu.memory_space<hbm>> -> memref<512xf32, #tpu.memory_space<hbm>>
      tpu.enqueue_dma source(%arg11 : memref<512xf32, #tpu.memory_space<vmem>>) target(%dma_start3A_1321 : memref<512xf32, #tpu.memory_space<hbm>>) target_semaphore(%run_scoped3A : memref<!tpu.dma_semaphore, #tpu.memory_space<semaphore_mem>>)
      %dma_wait3A_1322 = tpu.memref_slice %arg5[%mul3A_1319] : memref<16384xf32, #tpu.memory_space<hbm>> -> memref<512xf32, #tpu.memory_space<hbm>>
      %dma_wait3A_1323 = tpu.memref_slice %arg5[%mul3A_1319] : memref<16384xf32, #tpu.memory_space<hbm>> -> memref<512xf32, #tpu.memory_space<hbm>>
      tpu.wait_dma2 semaphore(%run_scoped3A : memref<!tpu.dma_semaphore, #tpu.memory_space<semaphore_mem>>) src(%arg11 : memref<512xf32, #tpu.memory_space<vmem>>) dst(%dma_wait3A_1323 : memref<512xf32, #tpu.memory_space<hbm>>)
      tpu.yield
    }) : () -> ()
    return
  }
}

module attributes {stable_mosaic.version = 14 : i64} {
  func.func @_proj_body(%arg0: i32, %arg1: memref<17x2048xf32, #tpu.memory_space<vmem>>, %arg2: memref<1024x17xf32, #tpu.memory_space<vmem>>, %arg3: memref<2048x1024xf32, #tpu.memory_space<vmem>>) attributes {dimension_semantics = [#tpu.dimension_semantics<arbitrary>], iteration_bounds = array<i64: 49>, scalar_prefetch = 0 : i64, scratch_operands = 0 : i64, tpu.core_type = #tpu.core_type<tc>, window_params = [{transform_indices = @transform_0, window_bounds = array<i64: 17, 2048>}, {pipeline_mode = #tpu.pipeline_mode<synchronous>, transform_indices = @transform_1, window_bounds = array<i64: 1024, 17>}, {transform_indices = @transform_2, window_bounds = array<i64: 2048, 1024>}]} {
    %get3A = arith.constant 0 : index
    %get3A_0 = arith.constant 0 : index
    %get3A_1 = vector.load %arg1[%get3A, %get3A_0] : memref<17x2048xf32, #tpu.memory_space<vmem>>, vector<17x2048xf32>
    %get3A_2 = arith.constant 0 : index
    %get3A_3 = arith.constant 0 : index
    %get3A_4 = vector.load %arg2[%get3A_2, %get3A_3] : memref<1024x17xf32, #tpu.memory_space<vmem>>, vector<1024x17xf32>
    %dot_general3A = arith.constant dense<0.000000e+00> : vector<2048x1024xf32>
    %dot_general3A_5 = tpu.matmul %get3A_1, %get3A_4, %dot_general3A {dimension_numbers = #tpu.dot_dimension_numbers<[0], [1], [1], [0], [0, 1, 1, 0], [], []>, transpose_lhs_hint = false} : vector<17x2048xf32>, vector<1024x17xf32>, vector<2048x1024xf32> -> vector<2048x1024xf32>
    %swap3A = arith.constant 0 : index
    %swap3A_6 = arith.constant 0 : index
    %swap3A_7 = vector.load %arg3[%swap3A, %swap3A_6] : memref<2048x1024xf32, #tpu.memory_space<vmem>>, vector<2048x1024xf32>
    tpu.vector_store %arg3[%swap3A, %swap3A_6], %dot_general3A_5 {strides = array<i32>} : memref<2048x1024xf32, #tpu.memory_space<vmem>>, vector<2048x1024xf32>,
    return
  }
  func.func @transform_0(%arg0: i32) -> (i32, i32) {
    %c0_i32 = arith.constant 0 : i32
    %c0_i32_0 = arith.constant 0 : i32
    return %c0_i32, %arg0 : i32, i32
  }
  func.func @transform_1(%arg0: i32) -> (i32, i32) {
    %c0_i32 = arith.constant 0 : i32
    %c0_i32_0 = arith.constant 0 : i32
    %c0_i32_1 = arith.constant 0 : i32
    return %c0_i32, %c0_i32_0 : i32, i32
  }
  func.func @transform_2(%arg0: i32) -> (i32, i32) {
    %c0_i32 = arith.constant 0 : i32
    %c0_i32_0 = arith.constant 0 : i32
    return %arg0, %c0_i32 : i32, i32
  }
}

</mosaic_0001>

<sc_bundles>
// kernel: kernel.4.cloned.1.call-start
scs
__scs_entry_jumppad:
0x0: {  	(pc) =	sbr.rel $0x88, $3  }
0x1: {  	(tag) =	ssettag $0x0;
	lr =	simm.s32 $0x1  }
0x2: {  	[smem:$0x3F9D] =	sst lr;
	_ =	strace $0xD0000000  }
0x3: {  	_ = 	snop  }
0x4: {  	_ = 	snop  }
0x5: {  	_ = 	snop  }
0x6: {  	_ = 	snop  }
0x7: {  	_ = 	snop  }
__scs_overlays_trampoline_lowered:
0x8: {  	[smem:$0x3FAC] =	sst s0  }
0x9: {  	[smem:$0x3FAD] =	sst s1  }
0xa: {  	[smem:$0x3FAE] =	sst s2  }
0xb: {  	[smem:$0x3FAF] =	sst s3  }
0xc: {  	[smem:$0x3FB0] =	sst s4  }
0xd: {  	[smem:$0x3FB1] =	sst s5  }
0xe: {  	[smem:$0x3FB2] =	sst s6  }
0xf: {  	[smem:$0x3FB3] =	sst s7  }
0x10: {  	[smem:$0x3FB4] =	sst s8  }
0x11: {  	[smem:$0x3FB5] =	sst s9;
	s0 =	simm.s32 @!p0 $0x0  }
0x12: {  	s1 =	sld [smem:$0x3F9B];
	s0 =	simm.s32 @p0 $0x1  }
0x13: {  	[smem:$0x3FB6] =	sst s0;
	s0 =	simm.s32 @!p1 $0x0  }
0x14: {  	s2 =	sld [smem:$0x3F9A];
	s0 =	simm.s32 @p1 $0x1  }
0x15: {  	[smem:$0x3FB7] =	sst s0;
	s0 =	simm.s32 @!p2 $0x0  }
0x16: {  	s3 =	sld [smem:$0x3FDB];
	s0 =	simm.s32 @p2 $0x1  }
0x17: {  	s4 =	simm.s32 $0x1BF5;
	[smem:$0x3FB9] =	sst s0  }
0x18: {  	s0 =	sld [smem:$0x3F9C];
	_ =	swait.ge [sflag:s4], $0x0  }
0x19: {  	s7 =	sld [smem:$0x3F9D]  }
0x1a: {  	s8 =	sadd.s32 $0xFFFFE003, lr  }
0x1b: {  	s9 =	sadd.s32 $0xFFFFFEF7, lr;
	s5 =	simm.s32 $0xFFFFFFFF;
	p2 =	slt.u32 s8, $0xFFFFF086  }
0x1c: {  	p1 =	slt.u32 s9, $0xF7A;
	s5 =	simm.s32 @!p2 $0x0  }
0x1d: {  	s5 =	simm.s32 @p1 $0x1;
	p0 =	seq.s32 s7, s2  }
0x1e: {  	s7 =	smul.u32 @!p0 $0xF7A, s2;
	p2 =	seq.s32 @!p0 s5, $0x0  }
0x1f: {  	s9 =	smul.u32 $0xF7A, s1;
	s8 =	simm.s32 @!p0 $0x1BF5;
	p2 =	por !p2, p0  }
0x20: {  	[sflag:s8] =	ssyncset.s32 @!p0 $0xFFFFF086;
	s6 =	sadd.s32 @!p0 s3, s7;
	s7 =	simm.s32 @!p0 $0x108  }
0x21: {  	s3 =	sadd.s32 s3, s9;
	s6 =	sadd.s32 @!p0 $0x88, s6;
	s7 =	simm.s32 @p2 $0x1082  }
0x22: {  	[simem:s7], [sflag:s8] =	dma.local @!p0 [hbm:s6], $0xF7A  }
0x23: {  	s9 =	sor.u32 $0xD0000000, s2;
	s6 =	simm.s32 $0x108;
	_ =	swait.ge @!p0 [sflag:s8], $0x0  }
0x24: {  	s3 =	sadd.s32 $0x88, s3;
	s6 =	simm.s32 @!p1 $0x1082;
	[sflag:s4] =	ssyncset.s32 $0xFFFFF086  }
0x25: {  	[simem:s6], [sflag:s4] =	dma.local [hbm:s3], $0xF7A  }
0x26: {  	[smem:$0x3F9D] =	sst s1;
	(tag) =	ssettag s2;
	_ =	strace s9  }
0x27: {  	s1 =	sld [smem:$0x3FAD]  }
0x28: {  	s2 =	sld [smem:$0x3FAE]  }
0x29: {  	s4 =	sld [smem:$0x3FB0]  }
0x2a: {  	p0 =	seq.s32 s5, $0x0;
	s5 =	sld [smem:$0x3FB1]  }
0x2b: {  	s6 =	sld [smem:$0x3FB2]  }
0x2c: {  	s7 =	sld [smem:$0x3FB3]  }
0x2d: {  	s3 =	simm.s32 $0x108;
	s8 =	sld [smem:$0x3FB4]  }
0x2e: {  	s3 =	simm.s32 @!p0 $0x1082;
	s9 =	sld [smem:$0x3FB5]  }
0x2f: {  	lr =	sadd.s32 s0, s3;
	s0 =	sld [smem:$0x3FAC]  }
0x30: {  	s3 =	sld [smem:$0x3FAF]  }
0x31: {  	[smem:$0x3FB8] =	sst s10  }
0x32: {  	s10 =	sld [smem:$0x3FB6];
	_ =	sdelay $0x3  }
0x33: {  	p0 =	seq.s32 s10, $0x1;
	s10 =	sld [smem:$0x3FB8];
	_ =	sdelay $0x3  }
0x34: {  	[smem:$0x3FB8] =	sst s10  }
0x35: {  	s10 =	sld [smem:$0x3FB7];
	_ =	sdelay $0x3  }
0x36: {  	p1 =	seq.s32 s10, $0x1;
	s10 =	sld [smem:$0x3FB8];
	_ =	sdelay $0x3  }
0x37: {  	[smem:$0x3FB8] =	sst s10  }
0x38: {  	s10 =	sld [smem:$0x3FB9]  }
0x39: {  	_ = 	snop;
	(pc) =	sbr.ind lr, $3  }
0x3a: {  	_ = 	snop  }
0x3b: {  	_ = 	snop  }
0x3c: {  	p2 =	seq.s32 s10, $0x1;
	s10 =	sld [smem:$0x3FB8]  }
0x3d: {  	_ =	shalt  }
0x3e: {  	_ =	shalt  }
0x3f: {  	_ =	shalt  }
0x40: {  	_ =	shalt  }
0x41: {  	_ =	shalt  }
0x42: {  	_ =	shalt  }
0x43: {  	_ =	shalt  }
0x44: {  	_ =	shalt  }
0x45: {  	_ =	shalt  }
0x46: {  	_ =	shalt  }
0x47: {  	_ =	shalt  }
0x48: {  	_ =	shalt  }
0x49: {  	_ =	shalt  }
0x4a: {  	_ =	shalt  }
0x4b: {  	_ =	shalt  }
0x4c: {  	_ =	shalt  }
0x4d: {  	_ =	shalt  }
0x4e: {  	_ =	shalt  }
0x4f: {  	_ =	shalt  }
0x50: {  	_ =	shalt  }
0x51: {  	_ =	shalt  }
0x52: {  	_ =	shalt  }
0x53: {  	_ =	shalt  }
0x54: {  	_ =	shalt  }
0x55: {  	_ =	shalt  }
0x56: {  	_ =	shalt  }
0x57: {  	_ =	shalt  }
0x58: {  	_ =	shalt  }
0x59: {  	_ =	shalt  }
0x5a: {  	_ =	shalt  }
0x5b: {  	_ =	shalt  }
0x5c: {  	_ =	shalt  }
0x5d: {  	_ =	shalt  }
0x5e: {  	_ =	shalt  }
0x5f: {  	_ =	shalt  }
0x60: {  	_ =	shalt  }
0x61: {  	_ =	shalt  }
0x62: {  	_ =	shalt  }
0x63: {  	_ =	shalt  }
0x64: {  	_ =	shalt  }
0x65: {  	_ =	shalt  }
0x66: {  	_ =	shalt  }
0x67: {  	_ =	shalt  }
0x68: {  	_ =	shalt  }
0x69: {  	_ =	shalt  }
0x6a: {  	_ =	shalt  }
0x6b: {  	_ =	shalt  }
0x6c: {  	_ =	shalt  }
0x6d: {  	_ =	shalt  }
0x6e: {  	_ =	shalt  }
0x6f: {  	_ =	shalt  }
0x70: {  	_ =	shalt  }
0x71: {  	_ =	shalt  }
0x72: {  	_ =	shalt  }
0x73: {  	_ =	shalt  }
0x74: {  	_ =	shalt  }
0x75: {  	_ =	shalt  }
0x76: {  	_ =	shalt  }
0x77: {  	_ =	shalt  }
0x78: {  	_ =	shalt  }
0x79: {  	_ =	shalt  }
0x7a: {  	_ =	shalt  }
0x7b: {  	_ =	shalt  }
0x7c: {  	_ =	shalt  }
0x7d: {  	_ =	shalt  }
0x7e: {  	_ =	shalt  }
0x7f: {  	_ =	shalt  }
0x80: {  	_ =	shalt  }
0x81: {  	_ =	shalt  }
0x82: {  	_ =	shalt  }
0x83: {  	_ =	shalt  }
0x84: {  	_ =	shalt  }
0x85: {  	_ =	shalt  }
0x86: {  	_ =	shalt  }
0x87: {  	_ =	shalt  }
.Lfunc_end0:
.L_simem_size_0:
called_computation_lowered:
.L_overlay_start_0:
0x88: {  	s2 =	sld [smem:$0x3FD9]  }
0x89: {  	s3 =	sld [smem:$0x3FFE];
	_ =	sdelay $0x1  }
0x8a: {  	s1 =	srdreg.scid  }
0x8b: {  	s0 =	sand.u32 $0x1, s1  }
0x8c: {  	s17 =	sshll.u32 s0, $0xA;
	s2 =	sadd.s32 s3, s2  }
0x8d: {  	s2 =	sadd.s32 s2, s17  }
0x8e: {  	[smem:$0x3FC4] =	sst s2  }
0x8f: {  	_ = 	snop  }
0x90: {  	s2 =	sld [smem:$0x3FD0];
	(tm) =	ssettm $0x1  }
0x91: {  	s18 =	sld [smem:$0x3FFB];
	_ =	sdelay $0x3  }
0x92: {  	_ =	strace s18  }
0x93: {  	s3 =	sld [smem:$0x3FFC];
	_ =	sdelay $0x3  }
0x94: {  	_ =	strace s3  }
0x95: {  	s3 =	sld [smem:$0x3FFD];
	_ =	sdelay $0x3  }
0x96: {  	_ =	strace s3  }
0x97: {  	_ =	strace $0x8FFFFFFF  }
0x98: {  	s19 =	sld [smem:$0x3FDB];
	_ =	sdelay $0x1  }
0x99: {  	s4 =	simm.s32 $_scs_section_size  }
0x9a: {  	s5 =	simm.s32 $_size__tile_overlayer_lowered;
	s6 =	simm.s32 $_tile_overlayer_lowered  }
0x9b: {  	s22 =	simm.s32 $0x1BFF;
	s21 =	sshll.u32 s6, $0x1;
	s3 =	sadd.s32 s4, s19  }
0x9c: {  	s7 =	simm.s32 $0x0;
	s20 =	sshll.u32 s5, $0x1;
	s5 =	sadd.s32 s21, s3  }
0x9d: {  	[timem:s7], [sflag:s22] =	dma.local [hbm:s5], s20  }
0x9e: {  	_ =	swait.ge [sflag:s22], s20  }
0x9f: {  	s4 =	ssub.s32 $0x0, s20;
	[sflag:s22] =	ssyncset.done $0x0  }
0xa0: {  	[sflag:s22] =	ssyncadd.s32 s4;
	_ =	sdelay $0x1  }
0xa1: {  	s23 =	simm.s32 $0x1B8B  }
0xa2: {  	_ =	swait.ge [sflag:s23], $0x1  }
0xa3: {  	[sflag:s23] =	ssyncset.done $0x0  }
0xa4: {  	s25 =	simm.s32 $0x1B8E;
	s24 =	sld [smem:$0x3FFE];
	[sflag:s23] =	ssyncadd.s32 $0xFFFFFFFF  }
0xa5: {  	s26 =	simm.s32 $execute0_lowered;
	[smem:$0x3FD2] =	sst s25  }
0xa6: {  	s5 =	sshll.u32 s26, $0x1;
	_ =	strace $0x80000046;
	[dreg:$0x1] =	wrdreg $0xFFFFFFFF  }
0xa7: {  	s28 =	simm.s32 $_size_execute0_lowered;
	s3 =	sadd.s32 s3, s5;
	[dreg:$0x0] =	wrdreg $0x0  }
0xa8: {  	s5 =	sshll.u32 s28, $0x1;
	[dreg:$0x2] =	wrdreg s3  }
0xa9: {  	[dreg:$0x3] =	wrdreg s5  }
0xaa: {  	[dreg:$0x4] =	wrdreg $0xC0  }
0xab: {  	_ =	task [dreg:s7], $0x5FFFF  }
0xac: {  	[dreg:$0x1] =	wrdreg $0xFFFFFFFF  }
0xad: {  	[dreg:$0x0] =	wrdreg $0x60  }
0xae: {  	[dreg:$0x2] =	wrdreg s24  }
0xaf: {  	[dreg:$0x3] =	wrdreg s2  }
0xb0: {  	[dreg:$0x4] =	wrdreg $0x14C000  }
0xb1: {  	[dreg:$0x5] =	wrdreg $0x9  }
0xb2: {  	_ =	task.clear_ibuf [dreg:s7], $0x6FFFF;
	_ =	strace $0x90000046  }
0xb3: {  	s29 =	simm.s32 $0x9;
	_ =	strace $0x80000048  }
0xb4: {  	_ =	swait.ge [sflag:s29], $0x1  }
0xb5: {  	[sflag:s29] =	ssyncadd.s32 $0xFFFFFFFF  }
0xb6: {  	_ =	strace $0x90000048  }
0xb7: {  	_ =	sfence  }
0xb8: {  	s30 =	sld [smem:$0x0];
	_ =	sdelay $0x2  }
0xb9: {  	s31 =	sshll.u32 s1, $0xD;
	s1 =	sshrl.u32 s1, $0x2  }
0xba: {  	s3 =	sand.u32 $0x4000, s31;
	s1 =	sadd.s32 s1, s30  }
0xbb: {  	s0 =	sor.u32 s3, s0;
	s1 =	sshll.u32 s1, $0x11  }
0xbc: {  	s0 =	sor.u32 s1, s0  }
0xbd: {  	s0 =	sadd.s32 $0x8F2B, s0  }
0xbe: {  	[sflag:s0] =	ssyncadd.remote.s32 $0x1  }
0xbf: {  	_ =	sfence.sel $0xFFFF  }
0xc0: {  	[dreg:$0x0] =	wrdreg $0xFFFFFFFF;
	(pc) =	sbr.abs _section_cstart, $3  }
0xc1: {  	[dreg:$0x1] =	wrdreg $0xFFFFFFFF  }
0xc2: {  	_ =	task.clear_ibuf [dreg:s7], $0x2FFFF;
	_ =	strace $0x9FFFFFFF  }
0xc3: {  	(tm) =	ssettm $0x7FFFFFFF  }
tec
execute0_lowered:
.L_overlay_start_1:
0x0: {  	(tag) =	ssettag $0x1  }
0x1: {  	s5 =	rddreg [dreg:$0x0]  }
0x2: {  	s8 =	rddreg [dreg:$0x1];
	s1 =	srdreg.scid  }
0x3: {  	s0 =	stileid.u32;
	s2 =	rddreg [dreg:$0x2];
	s3 =	simm.s32 $0x0  }
0x4: {  	s12 =	simm.s32 $0x400;
	s13 =	simm.s32 $0x80;
	s14 =	simm.s32 $0x4C00  }
0x5: {  	s15 =	simm.s32 $0x100;
	s16 =	simm.s32 $0x8C00;
	s17 =	simm.s32 $0x180  }
0x6: {  	s18 =	simm.s32 $0xCC00;
	s19 =	simm.s32 $0x200;
	s20 =	simm.s32 $0x10C00  }
0x7: {  	s21 =	simm.s32 $0x2;
	s22 =	simm.s32 $0x1;
	s23 =	simm.s32 $0x800  }
0x8: {  	s24 =	simm.s32 $0x880;
	s25 =	simm.s32 $0x900;
	s28 =	simm.s32 $0xA00  }
0x9: {  	s29 =	simm.s32 $0x15C00;
	s4 =	sand.u32 $0x1, s1;
	s1 =	rddreg [dreg:$0x3]  }
0xa: {  	s6 =	sshll.u32 s0, $0x1;
	[smem:$0x7FF] =	sst s3;
	s11 =	sshll.u32 s0, $0xC  }
0xb: {  	s26 =	sshll.u32 s0, $0x5;
	s9 =	sor.u32 s4, s6;
	_ =	strace $0x80000047  }
0xc: {  	s31 =	ssub.s32 $0x2, s4;
	s4 =	sadd.s32 $0x188A00, s5;
	v0 =	vmov s26;
	s26 =	simm.s32 $0x980  }
0xd: {  	s6 =	sshll.u32 s9, $0x7;
	s10 =	sshrl.u32 s31, $0x1;
	s9 =	sshll.u32 s9, $0x6  }
0xe: {  	s7 =	sadd.s32 s6, s5;
	s5 =	sadd.s32 $0x2000, s5;
	s10 =	ssub.s32 s31, s10  }
0xf: {  	s6 =	sadd.s32 s11, s2;
	s8 =	sadd.s32 s8, s9;
	s11 =	simm.s32 $0x3  }
0x10: {  	v1 =	vimm.f32 $0.0e+00;
	s7 =	sadd.s32 $0x1000, s7;
	s9 =	smax.u32 s10, $0x1;
	s10 =	simm.s32 $0xC00  }
.LBB2_1:
0x11: {  	[tilespmem:$0xC00] =	vst v1  }
0x12: {  	[tilespmem:$0xC80] =	vst v1  }
0x13: {  	[tilespmem:$0xD00] =	vst v1  }
0x14: {  	[tilespmem:$0xD80] =	vst v1  }
0x15: {  	[tilespmem:$0xE00] =	vst v1  }
0x16: {  	[tilespmem:$0xE80] =	vst v1  }
0x17: {  	[tilespmem:$0xF00] =	vst v1  }
0x18: {  	[tilespmem:$0xF80] =	vst v1  }
0x19: {  	[tilespmem:$0x1000] =	vst v1  }
0x1a: {  	[tilespmem:$0x1080] =	vst v1  }
0x1b: {  	[tilespmem:$0x1100] =	vst v1  }
0x1c: {  	[tilespmem:$0x1180] =	vst v1  }
0x1d: {  	[tilespmem:$0x1200] =	vst v1  }
0x1e: {  	[tilespmem:$0x1280] =	vst v1  }
0x1f: {  	[tilespmem:$0x1300] =	vst v1  }
0x20: {  	[tilespmem:$0x1380] =	vst v1  }
0x21: {  	[tilespmem:$0x1400] =	vst v1  }
0x22: {  	[tilespmem:$0x1480] =	vst v1  }
0x23: {  	[tilespmem:$0x1500] =	vst v1  }
0x24: {  	[tilespmem:$0x1580] =	vst v1  }
0x25: {  	[tilespmem:$0x1600] =	vst v1  }
0x26: {  	[tilespmem:$0x1680] =	vst v1  }
0x27: {  	[tilespmem:$0x1700] =	vst v1  }
0x28: {  	[tilespmem:$0x1780] =	vst v1  }
0x29: {  	[tilespmem:$0x1800] =	vst v1  }
0x2a: {  	[tilespmem:$0x1880] =	vst v1  }
0x2b: {  	[tilespmem:$0x1900] =	vst v1  }
0x2c: {  	[tilespmem:$0x1980] =	vst v1  }
0x2d: {  	[tilespmem:$0x1A00] =	vst v1  }
0x2e: {  	[tilespmem:$0x1A80] =	vst v1  }
0x2f: {  	[tilespmem:$0x1B00] =	vst v1  }
0x30: {  	[tilespmem:$0x1B80] =	vst v1  }
0x31: {  	[spmem:s6] =	stream.linear.scatter [tilespmem:s10], [sflag:$0x2], $0x1000, $0x38;
	[tilespmem:$0x15E00] =	vst v63  }
0x32: {  	_ = 	snop  }
0x33: {  	[tilespmem:s3], [sflag:$0x3] =	stream.linear.gather [hbm4b:s7+s3], $0x280, $0x38;
	[tilespmem:$0x15E00] =	vst v63  }
0x34: {  	_ =	swait.ge [sflag:s11], $0x280  }
0x35: {  	[sflag:s11] =	ssyncset.done $0x0  }
0x36: {  	[sflag:s11] =	ssyncadd.s32 $0xFFFFFD80  }
0x37: {  	[tilespmem:s12], [sflag:$0x3] =	stream.linear.gather [hbm4b:s4+s3], $0x280, $0x38;
	[tilespmem:$0x15E00] =	vst v63  }
0x38: {  	_ =	swait.ge [sflag:s11], $0x280  }
0x39: {  	[sflag:s11] =	ssyncset.done $0x0  }
0x3a: {  	[sflag:s11] =	ssyncadd.s32 $0xFFFFFD80  }
0x3b: {  	v2 =	vld [tilespmem:$0x400]  }
0x3c: {  	v3 =	vld [tilespmem:$0x410]  }
0x3d: {  	v4 =	vld [tilespmem:$0x420]  }
0x3e: {  	v5 =	vld [tilespmem:$0x430]  }
0x3f: {  	v6 =	vld [tilespmem:$0x440]  }
0x40: {  	v7 =	vld [tilespmem:$0x450];
	v2 =	vadd.s32 v0, v2  }
0x41: {  	[tilespmem:$0x800] =	vst v2;
	v2 =	vadd.s32 v0, v3;
	v3 =	vld [tilespmem:$0x460]  }
0x42: {  	v14 =	vld [tilespmem:$0x470];
	[tilespmem:$0x810] =	vst v2;
	v2 =	vadd.s32 v0, v4  }
0x43: {  	[tilespmem:$0x820] =	vst v2;
	v2 =	vadd.s32 v0, v5  }
0x44: {  	[tilespmem:$0x830] =	vst v2;
	v2 =	vadd.s32 v0, v6  }
0x45: {  	[tilespmem:$0x840] =	vst v2;
	v2 =	vadd.s32 v0, v7  }
0x46: {  	[tilespmem:$0x850] =	vst v2;
	v2 =	vadd.s32 v0, v3  }
0x47: {  	[tilespmem:$0x860] =	vst v2;
	v2 =	vadd.s32 v0, v14  }
0x48: {  	[tilespmem:$0x870] =	vst v2  }
0x49: {  	[tilespmem:s10], [sflag:$0x1] =	stream.indirect.gather [hbm4b:s5+s13], $0x80, s3, s13, $0xb8;
	[tilespmem:$0x15E00] =	vst v63  }
0x4a: {  	v2 =	vld [tilespmem:$0x480]  }
0x4b: {  	v3 =	vld [tilespmem:$0x490]  }
0x4c: {  	v15 =	vld [tilespmem:$0x4A0]  }
0x4d: {  	v16 =	vld [tilespmem:$0x4B0]  }
0x4e: {  	v17 =	vld [tilespmem:$0x4C0]  }
0x4f: {  	v18 =	vld [tilespmem:$0x4D0];
	v2 =	vadd.s32 v0, v2  }
0x50: {  	[tilespmem:$0x880] =	vst v2;
	v2 =	vadd.s32 v0, v3;
	v3 =	vld [tilespmem:$0x4E0]  }
0x51: {  	v19 =	vld [tilespmem:$0x4F0];
	[tilespmem:$0x890] =	vst v2;
	v2 =	vadd.s32 v0, v15  }
0x52: {  	[tilespmem:$0x8A0] =	vst v2;
	v2 =	vadd.s32 v0, v16  }
0x53: {  	[tilespmem:$0x8B0] =	vst v2;
	v2 =	vadd.s32 v0, v17  }
0x54: {  	[tilespmem:$0x8C0] =	vst v2;
	v2 =	vadd.s32 v0, v18  }
0x55: {  	[tilespmem:$0x8D0] =	vst v2;
	v2 =	vadd.s32 v0, v3  }
0x56: {  	[tilespmem:$0x8E0] =	vst v2;
	v2 =	vadd.s32 v0, v19  }
0x57: {  	[tilespmem:$0x8F0] =	vst v2  }
0x58: {  	[tilespmem:s14], [sflag:$0x1] =	stream.indirect.gather [hbm4b:s5+s13], $0x80, s13, s13, $0xb8;
	[tilespmem:$0x15E00] =	vst v63  }
0x59: {  	v2 =	vld [tilespmem:$0x500]  }
0x5a: {  	v3 =	vld [tilespmem:$0x510]  }
0x5b: {  	v20 =	vld [tilespmem:$0x520]  }
0x5c: {  	v21 =	vld [tilespmem:$0x530]  }
0x5d: {  	v22 =	vld [tilespmem:$0x540]  }
0x5e: {  	v23 =	vld [tilespmem:$0x550];
	v2 =	vadd.s32 v0, v2  }
0x5f: {  	[tilespmem:$0x900] =	vst v2;
	v2 =	vadd.s32 v0, v3;
	v3 =	vld [tilespmem:$0x560]  }
0x60: {  	v24 =	vld [tilespmem:$0x570];
	[tilespmem:$0x910] =	vst v2;
	v2 =	vadd.s32 v0, v20  }
0x61: {  	[tilespmem:$0x920] =	vst v2;
	v2 =	vadd.s32 v0, v21  }
0x62: {  	[tilespmem:$0x930] =	vst v2;
	v2 =	vadd.s32 v0, v22  }
0x63: {  	[tilespmem:$0x940] =	vst v2;
	v2 =	vadd.s32 v0, v23  }
0x64: {  	[tilespmem:$0x950] =	vst v2;
	v2 =	vadd.s32 v0, v3  }
0x65: {  	[tilespmem:$0x960] =	vst v2;
	v2 =	vadd.s32 v0, v24  }
0x66: {  	[tilespmem:$0x970] =	vst v2  }
0x67: {  	[tilespmem:s16], [sflag:$0x1] =	stream.indirect.gather [hbm4b:s5+s13], $0x80, s15, s13, $0xb8;
	[tilespmem:$0x15E00] =	vst v63  }
0x68: {  	v2 =	vld [tilespmem:$0x580]  }
0x69: {  	v3 =	vld [tilespmem:$0x590]  }
0x6a: {  	v25 =	vld [tilespmem:$0x5A0]  }
0x6b: {  	v26 =	vld [tilespmem:$0x5B0]  }
0x6c: {  	v27 =	vld [tilespmem:$0x5C0]  }
0x6d: {  	v28 =	vld [tilespmem:$0x5D0];
	v2 =	vadd.s32 v0, v2  }
0x6e: {  	[tilespmem:$0x980] =	vst v2;
	v2 =	vadd.s32 v0, v3;
	v3 =	vld [tilespmem:$0x5E0]  }
0x6f: {  	v29 =	vld [tilespmem:$0x5F0];
	[tilespmem:$0x990] =	vst v2;
	v2 =	vadd.s32 v0, v25  }
0x70: {  	[tilespmem:$0x9A0] =	vst v2;
	v2 =	vadd.s32 v0, v26  }
0x71: {  	[tilespmem:$0x9B0] =	vst v2;
	v2 =	vadd.s32 v0, v27  }
0x72: {  	[tilespmem:$0x9C0] =	vst v2;
	v2 =	vadd.s32 v0, v28  }
0x73: {  	[tilespmem:$0x9D0] =	vst v2;
	v2 =	vadd.s32 v0, v3  }
0x74: {  	[tilespmem:$0x9E0] =	vst v2;
	v2 =	vadd.s32 v0, v29  }
0x75: {  	[tilespmem:$0x9F0] =	vst v2  }
0x76: {  	[tilespmem:s18], [sflag:$0x1] =	stream.indirect.gather [hbm4b:s5+s13], $0x80, s17, s13, $0xb8;
	[tilespmem:$0x15E00] =	vst v63  }
0x77: {  	v2 =	vld [tilespmem:$0x600]  }
0x78: {  	v3 =	vld [tilespmem:$0x610]  }
0x79: {  	v30 =	vld [tilespmem:$0x620]  }
0x7a: {  	v31 =	vld [tilespmem:$0x630]  }
0x7b: {  	v32 =	vld [tilespmem:$0x640]  }
0x7c: {  	v33 =	vld [tilespmem:$0x650];
	v2 =	vadd.s32 v0, v2  }
0x7d: {  	[tilespmem:$0xA00] =	vst v2;
	v2 =	vadd.s32 v0, v3;
	v3 =	vld [tilespmem:$0x660]  }
0x7e: {  	v34 =	vld [tilespmem:$0x670];
	[tilespmem:$0xA10] =	vst v2;
	v2 =	vadd.s32 v0, v30  }
0x7f: {  	[tilespmem:$0xA20] =	vst v2;
	v2 =	vadd.s32 v0, v31  }
0x80: {  	[tilespmem:$0xA30] =	vst v2;
	v2 =	vadd.s32 v0, v32  }
0x81: {  	[tilespmem:$0xA40] =	vst v2;
	v2 =	vadd.s32 v0, v33  }
0x82: {  	[tilespmem:$0xA50] =	vst v2;
	v2 =	vadd.s32 v0, v3  }
0x83: {  	[tilespmem:$0xA60] =	vst v2;
	v2 =	vadd.s32 v0, v34  }
0x84: {  	[tilespmem:$0xA70] =	vst v2  }
0x85: {  	[tilespmem:s20], [sflag:$0x1] =	stream.indirect.gather [hbm4b:s5+s13], $0x80, s19, s13, $0xb8;
	[tilespmem:$0x15E00] =	vst v63  }
0x86: {  	_ =	swait.ge [sflag:s21], $0x1000  }
0x87: {  	[sflag:s21] =	ssyncset.done $0x0  }
0x88: {  	[sflag:s21] =	ssyncadd.s32 $0xFFFFF000  }
0x89: {  	_ =	swait.ge [sflag:s22], $0x4000  }
0x8a: {  	[sflag:s22] =	ssyncset.done $0x0  }
0x8b: {  	[sflag:s22] =	ssyncadd.s32 $0xFFFFC000  }
0x8c: {  	_ =	swait.ge [sflag:s22], $0x4000  }
0x8d: {  	[sflag:s22] =	ssyncset.done $0x0  }
0x8e: {  	[sflag:s22] =	ssyncadd.s32 $0xFFFFC000  }
0x8f: {  	_ =	swait.ge [sflag:s22], $0x4000  }
0x90: {  	[sflag:s22] =	ssyncset.done $0x0  }
0x91: {  	[sflag:s22] =	ssyncadd.s32 $0xFFFFC000  }
0x92: {  	_ =	swait.ge [sflag:s22], $0x4000  }
0x93: {  	[sflag:s22] =	ssyncset.done $0x0  }
0x94: {  	[sflag:s22] =	ssyncadd.s32 $0xFFFFC000  }
0x95: {  	_ =	swait.ge [sflag:s22], $0x4000  }
0x96: {  	[sflag:s22] =	ssyncset.done $0x0  }
0x97: {  	[sflag:s22] =	ssyncadd.s32 $0xFFFFC000  }
0x98: {  	[spmem:s2] =	stream.indirect.scatter.add.f32 [tilespmem:s10], [sflag:$0x2], $0x80, s23, s13, $0xb8;
	[tilespmem:$0x15E00] =	vst v63  }
0x99: {  	_ = 	snop  }
0x9a: {  	[spmem:s2] =	stream.indirect.scatter.add.f32 [tilespmem:s14], [sflag:$0x2], $0x80, s24, s13, $0xb8;
	[tilespmem:$0x15E00] =	vst v63  }
0x9b: {  	_ = 	snop  }
0x9c: {  	[spmem:s2] =	stream.indirect.scatter.add.f32 [tilespmem:s16], [sflag:$0x2], $0x80, s25, s13, $0xb8;
	[tilespmem:$0x15E00] =	vst v63  }
0x9d: {  	_ = 	snop  }
0x9e: {  	[spmem:s2] =	stream.indirect.scatter.add.f32 [tilespmem:s18], [sflag:$0x2], $0x80, s26, s13, $0xb8;
	[tilespmem:$0x15E00] =	vst v63  }
0x9f: {  	_ = 	snop  }
0xa0: {  	[spmem:s2] =	stream.indirect.scatter.add.f32 [tilespmem:s20], [sflag:$0x2], $0x80, s28, s13, $0xb8;
	[tilespmem:$0x15E00] =	vst v63  }
0xa1: {  	_ =	swait.ge [sflag:s21], $0x4000  }
0xa2: {  	[sflag:s21] =	ssyncset.done $0x0  }
0xa3: {  	[sflag:s21] =	ssyncadd.s32 $0xFFFFC000  }
0xa4: {  	_ =	swait.ge [sflag:s21], $0x4000  }
0xa5: {  	[sflag:s21] =	ssyncset.done $0x0  }
0xa6: {  	[sflag:s21] =	ssyncadd.s32 $0xFFFFC000  }
0xa7: {  	_ =	swait.ge [sflag:s21], $0x4000  }
0xa8: {  	[sflag:s21] =	ssyncset.done $0x0  }
0xa9: {  	[sflag:s21] =	ssyncadd.s32 $0xFFFFC000  }
0xaa: {  	_ =	swait.ge [sflag:s21], $0x4000  }
0xab: {  	[sflag:s21] =	ssyncset.done $0x0  }
0xac: {  	[sflag:s21] =	ssyncadd.s32 $0xFFFFC000  }
0xad: {  	_ =	swait.ge [sflag:s21], $0x4000  }
0xae: {  	[sflag:s21] =	ssyncset.done $0x0  }
0xaf: {  	[sflag:s21] =	ssyncadd.s32 $0xFFFFC000  }
0xb0: {  	[tilespmem:s10], [sflag:$0x3] =	stream.linear.gather [spmem:s6], $0x1000, $0x38;
	[tilespmem:$0x15E00] =	vst v63  }
0xb1: {  	_ =	swait.ge [sflag:s11], $0x1000  }
0xb2: {  	[sflag:s11] =	ssyncset.done $0x0  }
0xb3: {  	[sflag:s11] =	ssyncadd.s32 $0xFFFFF000  }
0xb4: {  	v2 =	vld [tilespmem:$0xC00]  }
0xb5: {  	v3 =	vld [tilespmem:$0xC80]  }
0xb6: {  	v35 =	vld [tilespmem:$0xD00]  }
0xb7: {  	v36 =	vld [tilespmem:$0xD80]  }
0xb8: {  	v37 =	vld [tilespmem:$0xE00]  }
0xb9: {  	v38 =	vld [tilespmem:$0xE80];
	v2 =	vmul.f32 $5.000000070e-02, v2  }
0xba: {  	v8 =	vld [tilespmem:$0xF00];
	v3 =	vmul.f32 $5.000000070e-02, v3  }
0xbb: {  	v39 =	vld [tilespmem:$0xF80];
	[tilespmem:$0x15C00] =	vst v2;
	v2 =	vmul.f32 $5.000000070e-02, v35  }
0xbc: {  	v40 =	vld [tilespmem:$0x1000];
	[tilespmem:$0x15C10] =	vst v3;
	v3 =	vmul.f32 $5.000000070e-02, v36  }
0xbd: {  	v41 =	vld [tilespmem:$0x1080];
	[tilespmem:$0x15C20] =	vst v2;
	v2 =	vmul.f32 $5.000000070e-02, v37  }
0xbe: {  	v42 =	vld [tilespmem:$0x1100];
	[tilespmem:$0x15C30] =	vst v3;
	v3 =	vmul.f32 $5.000000070e-02, v38  }
0xbf: {  	v43 =	vld [tilespmem:$0x1180];
	[tilespmem:$0x15C40] =	vst v2;
	v2 =	vmul.f32 $5.000000070e-02, v8  }
0xc0: {  	v44 =	vld [tilespmem:$0x1200];
	[tilespmem:$0x15C50] =	vst v3;
	v3 =	vmul.f32 $5.000000070e-02, v39  }
0xc1: {  	v45 =	vld [tilespmem:$0x1280];
	[tilespmem:$0x15C60] =	vst v2;
	v2 =	vmul.f32 $5.000000070e-02, v40  }
0xc2: {  	v46 =	vld [tilespmem:$0x1300];
	[tilespmem:$0x15C70] =	vst v3;
	v3 =	vmul.f32 $5.000000070e-02, v41  }
0xc3: {  	v47 =	vld [tilespmem:$0x1380];
	[tilespmem:$0x15C80] =	vst v2;
	v2 =	vmul.f32 $5.000000070e-02, v42  }
0xc4: {  	v48 =	vld [tilespmem:$0x1400];
	[tilespmem:$0x15C90] =	vst v3;
	v3 =	vmul.f32 $5.000000070e-02, v43  }
0xc5: {  	v49 =	vld [tilespmem:$0x1480];
	[tilespmem:$0x15CA0] =	vst v2;
	v2 =	vmul.f32 $5.000000070e-02, v44  }
0xc6: {  	v50 =	vld [tilespmem:$0x1500];
	[tilespmem:$0x15CB0] =	vst v3;
	v3 =	vmul.f32 $5.000000070e-02, v45  }
0xc7: {  	v51 =	vld [tilespmem:$0x1580];
	[tilespmem:$0x15CC0] =	vst v2;
	v2 =	vmul.f32 $5.000000070e-02, v46  }
0xc8: {  	v52 =	vld [tilespmem:$0x1600];
	[tilespmem:$0x15CD0] =	vst v3;
	v3 =	vmul.f32 $5.000000070e-02, v47  }
0xc9: {  	v53 =	vld [tilespmem:$0x1680];
	[tilespmem:$0x15CE0] =	vst v2;
	v2 =	vmul.f32 $5.000000070e-02, v48  }
0xca: {  	v54 =	vld [tilespmem:$0x1700];
	[tilespmem:$0x15CF0] =	vst v3;
	v3 =	vmul.f32 $5.000000070e-02, v49  }
0xcb: {  	v55 =	vld [tilespmem:$0x1780];
	[tilespmem:$0x15D00] =	vst v2;
	v2 =	vmul.f32 $5.000000070e-02, v50  }
0xcc: {  	v56 =	vld [tilespmem:$0x1800];
	[tilespmem:$0x15D10] =	vst v3;
	v3 =	vmul.f32 $5.000000070e-02, v51  }
0xcd: {  	v57 =	vld [tilespmem:$0x1880];
	[tilespmem:$0x15D20] =	vst v2;
	v2 =	vmul.f32 $5.000000070e-02, v52  }
0xce: {  	v58 =	vld [tilespmem:$0x1900];
	[tilespmem:$0x15D30] =	vst v3;
	v3 =	vmul.f32 $5.000000070e-02, v53  }
0xcf: {  	v59 =	vld [tilespmem:$0x1980];
	[tilespmem:$0x15D40] =	vst v2;
	v2 =	vmul.f32 $5.000000070e-02, v54  }
0xd0: {  	v60 =	vld [tilespmem:$0x1A00];
	[tilespmem:$0x15D50] =	vst v3;
	v3 =	vmul.f32 $5.000000070e-02, v55  }
0xd1: {  	v61 =	vld [tilespmem:$0x1A80];
	[tilespmem:$0x15D60] =	vst v2;
	v2 =	vmul.f32 $5.000000070e-02, v56  }
0xd2: {  	v62 =	vld [tilespmem:$0x1B00];
	[tilespmem:$0x15D70] =	vst v3;
	v3 =	vmul.f32 $5.000000070e-02, v57  }
0xd3: {  	v63 =	vld [tilespmem:$0x1B80];
	[tilespmem:$0x15D80] =	vst v2;
	v2 =	vmul.f32 $5.000000070e-02, v58  }
0xd4: {  	[tilespmem:$0x15D90] =	vst v3;
	v3 =	vmul.f32 $5.000000070e-02, v59  }
0xd5: {  	[tilespmem:$0x15DA0] =	vst v2;
	v2 =	vmul.f32 $5.000000070e-02, v60  }
0xd6: {  	[tilespmem:$0x15DB0] =	vst v3;
	v3 =	vmul.f32 $5.000000070e-02, v61  }
0xd7: {  	[tilespmem:$0x15DC0] =	vst v2;
	v2 =	vmul.f32 $5.000000070e-02, v62  }
0xd8: {  	[tilespmem:$0x15DD0] =	vst v3;
	v3 =	vmul.f32 $5.000000070e-02, v63  }
0xd9: {  	p0 =	sne.s32 s9, $0x1;
	[tilespmem:$0x15DE0] =	vst v2  }
.Ltmp0:
0xda: {  	[tilespmem:$0x15DF0] =	vst v3;
	(pc) =	sbr.rel @p0 .LBB2_1-.Ltmp0, $4  }
0xdb: {  	[hbm4b:s8+s3] =	stream.linear.scatter [tilespmem:s29], [sflag:$0x3], $0x200, $0x38;
	[tilespmem:$0x15E00] =	vst v63  }
0xdc: {  	_ =	swait.ge [sflag:s11], $0x200  }
0xdd: {  	[sflag:s11] =	ssyncset.done $0x0  }
0xde: {  	s9 =	sadd.s32 $0xFFFFFFFF, s9;
	[sflag:s11] =	ssyncadd.s32 $0xFFFFFE00  }
0xdf: {  	_ =	sfence.sel $0x180000  }
0xe0: {  	[bflag:$0x0] =	sbarrier.arrive $0xFFFF  }
0xe1: {  	p0 =	sne.s32 s0, $0x0;
	_ =	strace $0x90000047  }
0xe2: {  	s0 =	sadd.s32 @!p0 $0x100000, s1;
	[bflag:$0x2] =	sbarrier.arrive $0xFFFF  }
0xe3: {  	[sflag:s0] =	ssyncadd.tile.s32 @!p0 $0x1;
	_ =	shalt  }
.Lfunc_end2:
_tile_overlayer_lowered:
.L_overlay_start_2:
0xe4: {  	(tag) =	ssettag $0x2  }
0xe5: {  	s0 =	rddreg [dreg:$0x0];
	s2 =	stileid.u32  }
0xe6: {  	s1 =	rddreg [dreg:$0x1];
	p0 =	sne.s32 s2, $0x0  }
0xe7: {  	s3 =	rddreg [dreg:$0x2];
	[bflag:$0x3] =	sbarrier.arrive $0xFFFF;
	s2 =	simm.s32 @!p0 $0x1C03  }
0xe8: {  	[timem:s3], [sflag:s2] =	dma.local @!p0 [hbm:s0], s1  }
0xe9: {  	s0 =	simm.s32 @!p0 $0x3  }
0xea: {  	_ =	swait.ge @!p0 [sflag:s0], s1  }
0xeb: {  	s1 =	ssub.s32 @!p0 $0x0, s1;
	[sflag:s0] =	ssyncset.done @!p0 $0x0  }
0xec: {  	[sflag:s0] =	ssyncadd.s32 @!p0 s1  }
0xed: {  	[bflag:$0x3] =	sbarrier.arrive $0xFFFF  }
0xee: {  	_ =	shalt  }

</sc_bundles>
